<compile_context>
chip_gen: v7x
topology: tpu7x:2x2x1
jax: 0.10.2.dev20260603
libtpu: 0.0.44.dev20260713+nightly
codegen_flags: <defaults>
</compile_context>

<pallas_src>
import jax
import jax.numpy as jnp
from jax import lax
from jax.experimental import pallas as pl
from jax.experimental.pallas import tpu as pltpu
from jax.experimental.pallas import tpu_sc as plsc

L = 3276800
V = 5
D = 6
DP = 16
NC = 2
NS = 16
NW = NC * NS
PER = L // NW
CH = 2048
NCH = PER // CH
LANES = 16
GPC = CH // LANES


def _sc_body(ids_hbm, table_hbm, emb_hbm, cnt_hbm, ids_v, out_v, tvm, cnt_v, sem):
    cid = lax.axis_index("c")
    sid = lax.axis_index("s")
    wid = sid * NC + cid
    base = wid * PER

    pltpu.sync_copy(table_hbm, tvm)
    cnt_v[pl.ds(0, LANES)] = jnp.zeros((LANES,), jnp.float32)

    ones = jnp.ones((LANES,), jnp.float32)
    lane = lax.iota(jnp.int32, LANES)
    six = lane * 6
    jconst = [jnp.full((LANES,), j, jnp.int32) for j in range(D)]
    sixp = [six + j for j in range(D)]

    def chunk(c, _):
        off = base + c * CH
        pltpu.sync_copy(ids_hbm.at[pl.ds(off, CH)], ids_v)

        def group(g, _):
            idv = ids_v[pl.ds(g * LANES, LANES)]
            plsc.addupdate_scatter(cnt_v, [idv], ones)
            outs = out_v.at[pl.ds(g * (LANES * D), LANES * D)]
            for j in range(D):
                vals = plsc.load_gather(tvm, [idv, jconst[j]])
                plsc.store_scatter(outs, [sixp[j]], vals)
            return 0

        lax.fori_loop(0, GPC, group, 0, unroll=4)
        pltpu.sync_copy(out_v, emb_hbm.at[pl.ds(off * D, CH * D)])
        return 0

    lax.fori_loop(0, NCH, chunk, 0)
    pltpu.sync_copy(cnt_v, cnt_hbm.at[wid])


_sc_call = pl.kernel(
    _sc_body,
    out_type=(
        jax.ShapeDtypeStruct((L * D,), jnp.float32),
        jax.ShapeDtypeStruct((NW, LANES), jnp.float32),
    ),
    mesh=plsc.VectorSubcoreMesh(
        core_axis_name="c", subcore_axis_name="s", num_cores=NC, num_subcores=NS
    ),
    scratch_types=[
        pltpu.VMEM((CH,), jnp.int32),
        pltpu.VMEM((CH * D,), jnp.float32),
        pltpu.VMEM((V, DP), jnp.float32),
        pltpu.VMEM((LANES,), jnp.float32),
        pltpu.SemaphoreType.DMA,
    ],
    compiler_params=pltpu.CompilerParams(
        use_tc_tiling_on_sc=False, needs_layout_passes=False
    ),
)


def _finale_body(cnt_ref, table_ref, fcw_ref, fcb_ref, out_ref):
    s = jnp.sum(cnt_ref[...], axis=0, keepdims=True)
    rows = lax.broadcasted_iota(jnp.int32, (LANES, V), 0)
    cols = lax.broadcasted_iota(jnp.int32, (LANES, V), 1)
    sel = jnp.where(rows == cols, 1.0, 0.0)
    counts = jnp.dot(s, sel, preferred_element_type=jnp.float32)
    pooled = jnp.dot(counts, table_ref[...], preferred_element_type=jnp.float32)
    pooled = pooled * jnp.float32(1.0 / L)
    logits = (
        jnp.dot(pooled, fcw_ref[...].T, preferred_element_type=jnp.float32)
        + fcb_ref[...]
    )
    out_ref[...] = logits


_finale_call = pl.pallas_call(
    _finale_body,
    out_shape=jax.ShapeDtypeStruct((1, 2), jnp.float32),
)


@jax.jit
def kernel(x_ids, table, fc_w, fc_b):
    table_p = jnp.pad(table, ((0, 0), (0, DP - D)))
    emb_flat, cnt = _sc_call(x_ids, table_p)
    logits = _finale_call(cnt, table, fc_w, fc_b.reshape(1, 2)).reshape(2)
    return logits, emb_flat.reshape(L, D)

# --- scband reference (transcript-rebuilt; emitter-appended) ---
"""Pipeline reference for scband-tiny-model-20143396618621 (READ-ONLY COPY).

The authoritative reference and input builder live on the scoring server;
editing this copy changes nothing except your own understanding.
"""

import jax, jax.numpy as jnp
import numpy as np

L = 3276800
V = 5
D = 6
OUT = 2

def setup_inputs(seed: int = 0) -> dict:
    key = jax.random.key(seed)
    k1, k2, k3, k4 = jax.random.split(key, 4)
    x_ids = jax.random.randint(k1, (L,), 0, V, dtype=jnp.int32)
    # learned params: nn.Embedding(V, 6) weight ~ N(0,1); nn.Linear(6, 2) weight/bias ~ U(-1/sqrt(6), 1/sqrt(6))
    table = jax.random.normal(k2, (V, D), dtype=jnp.float32)
    bound = 1.0 / np.sqrt(D)
    fc_w = jax.random.uniform(k3, (OUT, D), dtype=jnp.float32, minval=-bound, maxval=bound)
    fc_b = jax.random.uniform(k4, (OUT,), dtype=jnp.float32, minval=-bound, maxval=bound)
    return {"x_ids": x_ids, "table": table, "fc_w": fc_w, "fc_b": fc_b}

def reference(x_ids, table, fc_w, fc_b):
    # emb = self.embedding(x_ids)
    emb = jnp.take(table, x_ids, axis=0)          # [L, 6] gather
    # pooled = emb.mean(dim=0)
    pooled = emb.mean(axis=0)                     # [6]
    # logits = self.fc(pooled)
    logits = pooled @ fc_w.T + fc_b               # [2]
    return (logits, emb)

if __name__ == "__main__":
    import jax
    _d = setup_inputs()
    print(jax.jit(kernel)(*tuple(_d.values())))

</pallas_src>

<mosaic_0001>
#map = affine_map<(d0, d1) -> (0)>
#map1 = affine_map<(d0, d1) -> (0, 0)>
module attributes {stable_mosaic.version = 14 : i64} {
  func.func @_sc_body(%arg0: i32, %arg1: i32, %arg2: memref<3276800xi32, #tpu.memory_space<hbm>>, %arg3: memref<5x16xf32, #tpu.memory_space<hbm>>, %arg4: memref<19660800xf32, #tpu.memory_space<hbm>>, %arg5: memref<32x16xf32, #tpu.memory_space<hbm>>, %arg6: memref<2048xi32, #tpu.memory_space<vmem>>, %arg7: memref<12288xf32, #tpu.memory_space<vmem>>, %arg8: memref<5x16xf32, #tpu.memory_space<vmem>>, %arg9: memref<16xf32, #tpu.memory_space<vmem>>, %arg10: memref<!tpu.dma_semaphore, #tpu.memory_space<semaphore_mem>>) attributes {dimension_semantics = [#tpu.dimension_semantics<core_parallel>, #tpu.dimension_semantics<subcore_parallel>], iteration_bounds = array<i64: 2, 16>, scalar_prefetch = 0 : i64, scratch_operands = 5 : i64, tpu.core_type = #tpu.core_type<sc_vector_subcore>, window_params = [{transform_indices = #map}, {transform_indices = #map1}, {transform_indices = #map}, {transform_indices = #map1}]} {
    %mul3A = arith.constant 2 : i32
    %mul3A_0 = arith.muli %arg1, %mul3A : i32
    %add3A = arith.addi %mul3A_0, %arg0 : i32
    %mul3A_1 = arith.constant 102400 : i32
    %mul3A_2 = arith.muli %add3A, %mul3A_1 : i32
    "tpu.region"() ({
      %run_scoped3A = tpu.sem_alloc : memref<!tpu.dma_semaphore, #tpu.memory_space<semaphore_mem>>
      tpu.enqueue_dma source(%arg3 : memref<5x16xf32, #tpu.memory_space<hbm>>) target(%arg8 : memref<5x16xf32, #tpu.memory_space<vmem>>) target_semaphore(%run_scoped3A : memref<!tpu.dma_semaphore, #tpu.memory_space<semaphore_mem>>)
      tpu.wait_dma2 semaphore(%run_scoped3A : memref<!tpu.dma_semaphore, #tpu.memory_space<semaphore_mem>>) src(%arg3 : memref<5x16xf32, #tpu.memory_space<hbm>>) dst(%arg8 : memref<5x16xf32, #tpu.memory_space<vmem>>)
      tpu.yield
    }) : () -> ()
    %broadcast_in_dim3A = arith.constant 0.000000e+00 : f32
    %broadcast_in_dim3A_3 = vector.broadcast %broadcast_in_dim3A : f32 to vector<16xf32>
    %swap3A = arith.constant 0 : index
    %swap3A_4 = tpu.vector_load %arg9[%swap3A] {strides = array<i32>} : memref<16xf32, #tpu.memory_space<vmem>>, vector<16xf32>,
    tpu.vector_store %arg9[%swap3A], %broadcast_in_dim3A_3 {strides = array<i32>} : memref<16xf32, #tpu.memory_space<vmem>>, vector<16xf32>,
    %broadcast_in_dim3A_5 = arith.constant 1.000000e+00 : f32
    %broadcast_in_dim3A_6 = vector.broadcast %broadcast_in_dim3A_5 : f32 to vector<16xf32>
    %iota3A = tpu.iota {dimensions = array<i32: 0>} : vector<16xi32>
    %mul3A_7 = arith.constant 6 : i32
    %mul3A_8 = vector.broadcast %mul3A_7 : i32 to vector<16xi32>
    %mul3A_9 = arith.muli %iota3A, %mul3A_8 : vector<16xi32>
    %broadcast_in_dim3A_10 = arith.constant 0 : i32
    %broadcast_in_dim3A_11 = vector.broadcast %broadcast_in_dim3A_10 : i32 to vector<16xi32>
    %broadcast_in_dim3A_12 = arith.constant 1 : i32
    %broadcast_in_dim3A_13 = vector.broadcast %broadcast_in_dim3A_12 : i32 to vector<16xi32>
    %broadcast_in_dim3A_14 = arith.constant 2 : i32
    %broadcast_in_dim3A_15 = vector.broadcast %broadcast_in_dim3A_14 : i32 to vector<16xi32>
    %broadcast_in_dim3A_16 = arith.constant 3 : i32
    %broadcast_in_dim3A_17 = vector.broadcast %broadcast_in_dim3A_16 : i32 to vector<16xi32>
    %broadcast_in_dim3A_18 = arith.constant 4 : i32
    %broadcast_in_dim3A_19 = vector.broadcast %broadcast_in_dim3A_18 : i32 to vector<16xi32>
    %broadcast_in_dim3A_20 = arith.constant 5 : i32
    %broadcast_in_dim3A_21 = vector.broadcast %broadcast_in_dim3A_20 : i32 to vector<16xi32>
    %add3A_22 = arith.constant 0 : i32
    %add3A_23 = vector.broadcast %add3A_22 : i32 to vector<16xi32>
    %add3A_24 = arith.addi %mul3A_9, %add3A_23 : vector<16xi32>
    %add3A_25 = arith.constant 1 : i32
    %add3A_26 = vector.broadcast %add3A_25 : i32 to vector<16xi32>
    %add3A_27 = arith.addi %mul3A_9, %add3A_26 : vector<16xi32>
    %add3A_28 = arith.constant 2 : i32
    %add3A_29 = vector.broadcast %add3A_28 : i32 to vector<16xi32>
    %add3A_30 = arith.addi %mul3A_9, %add3A_29 : vector<16xi32>
    %add3A_31 = arith.constant 3 : i32
    %add3A_32 = vector.broadcast %add3A_31 : i32 to vector<16xi32>
    %add3A_33 = arith.addi %mul3A_9, %add3A_32 : vector<16xi32>
    %add3A_34 = arith.constant 4 : i32
    %add3A_35 = vector.broadcast %add3A_34 : i32 to vector<16xi32>
    %add3A_36 = arith.addi %mul3A_9, %add3A_35 : vector<16xi32>
    %add3A_37 = arith.constant 5 : i32
    %add3A_38 = vector.broadcast %add3A_37 : i32 to vector<16xi32>
    %add3A_39 = arith.addi %mul3A_9, %add3A_38 : vector<16xi32>
    %scan3A = arith.constant 0 : i32
    %scan3A_40 = arith.constant 0 : i32
    %scan3A_41 = arith.constant 50 : i32
    %scan3A_42 = arith.addi %scan3A_40, %scan3A_41 : i32
    %scan3A_43 = arith.constant 1 : i32
    %scan3A_44 = scf.for %scan3A_46 = %scan3A_40 to %scan3A_42 step %scan3A_43 iter_args(%scan3A_47 = %scan3A) -> (i32)  : i32 {
      %mul3A_48 = arith.constant 2048 : i32
      %mul3A_49 = arith.muli %scan3A_46, %mul3A_48 : i32
      %add3A_50 = arith.addi %mul3A_2, %mul3A_49 : i32
      "tpu.region"() ({
        %run_scoped3A = tpu.sem_alloc : memref<!tpu.dma_semaphore, #tpu.memory_space<semaphore_mem>>
        %dma_start3A = tpu.memref_slice %arg2[%add3A_50] : memref<3276800xi32, #tpu.memory_space<hbm>> -> memref<2048xi32, #tpu.memory_space<hbm>>
        %dma_start3A_61 = tpu.memref_slice %arg2[%add3A_50] : memref<3276800xi32, #tpu.memory_space<hbm>> -> memref<2048xi32, #tpu.memory_space<hbm>>
        tpu.enqueue_dma source(%dma_start3A_61 : memref<2048xi32, #tpu.memory_space<hbm>>) target(%arg6 : memref<2048xi32, #tpu.memory_space<vmem>>) target_semaphore(%run_scoped3A : memref<!tpu.dma_semaphore, #tpu.memory_space<semaphore_mem>>)
        %dma_wait3A = tpu.memref_slice %arg2[%add3A_50] : memref<3276800xi32, #tpu.memory_space<hbm>> -> memref<2048xi32, #tpu.memory_space<hbm>>
        %dma_wait3A_62 = tpu.memref_slice %arg2[%add3A_50] : memref<3276800xi32, #tpu.memory_space<hbm>> -> memref<2048xi32, #tpu.memory_space<hbm>>
        tpu.wait_dma2 semaphore(%run_scoped3A : memref<!tpu.dma_semaphore, #tpu.memory_space<semaphore_mem>>) src(%dma_wait3A_62 : memref<2048xi32, #tpu.memory_space<hbm>>) dst(%arg6 : memref<2048xi32, #tpu.memory_space<vmem>>)
        tpu.yield
      }) : () -> ()
      %scan3A_51 = arith.constant 0 : i32
      %scan3A_52 = arith.constant 0 : i32
      %scan3A_53 = arith.constant 128 : i32
      %scan3A_54 = arith.addi %scan3A_52, %scan3A_53 : i32
      %scan3A_55 = arith.constant 4 : i32
      %scan3A_56 = scf.for %scan3A_61 = %scan3A_52 to %scan3A_54 step %scan3A_55 iter_args(%scan3A_62 = %scan3A_51) -> (i32)  : i32 {
        %mul3A_63 = arith.constant 16 : i32
        %mul3A_64 = arith.muli %scan3A_61, %mul3A_63 : i32
        %get3A = arith.index_cast %mul3A_64 : i32 to index
        %get3A_65 = tpu.vector_load %arg6[%get3A] {strides = array<i32>} : memref<2048xi32, #tpu.memory_space<vmem>>, vector<16xi32>,
        tpu.vector_store_idx %arg9[%get3A_65], %broadcast_in_dim3A_6 {add = true} : memref<16xf32, #tpu.memory_space<vmem>>[vector<16xi32>], vector<16xf32>,
        %mul3A_66 = arith.constant 96 : i32
        %mul3A_67 = arith.muli %scan3A_61, %mul3A_66 : i32
        %gather3A = tpu.vector_load_idx %arg8[%get3A_65, %broadcast_in_dim3A_11] : memref<5x16xf32, #tpu.memory_space<vmem>>[vector<16xi32>, vector<16xi32>], vector<16xf32>,
        %scatter3A = tpu.memref_slice %arg7[%mul3A_67] : memref<12288xf32, #tpu.memory_space<vmem>> -> memref<96xf32, #tpu.memory_space<vmem>>
        tpu.vector_store_idx %scatter3A[%add3A_24], %gather3A : memref<96xf32, #tpu.memory_space<vmem>>[vector<16xi32>], vector<16xf32>,
        %gather3A_68 = tpu.vector_load_idx %arg8[%get3A_65, %broadcast_in_dim3A_13] : memref<5x16xf32, #tpu.memory_space<vmem>>[vector<16xi32>, vector<16xi32>], vector<16xf32>,
        %scatter3A_69 = tpu.memref_slice %arg7[%mul3A_67] : memref<12288xf32, #tpu.memory_space<vmem>> -> memref<96xf32, #tpu.memory_space<vmem>>
        tpu.vector_store_idx %scatter3A_69[%add3A_27], %gather3A_68 : memref<96xf32, #tpu.memory_space<vmem>>[vector<16xi32>], vector<16xf32>,
        %gather3A_70 = tpu.vector_load_idx %arg8[%get3A_65, %broadcast_in_dim3A_15] : memref<5x16xf32, #tpu.memory_space<vmem>>[vector<16xi32>, vector<16xi32>], vector<16xf32>,
        %scatter3A_71 = tpu.memref_slice %arg7[%mul3A_67] : memref<12288xf32, #tpu.memory_space<vmem>> -> memref<96xf32, #tpu.memory_space<vmem>>
        tpu.vector_store_idx %scatter3A_71[%add3A_30], %gather3A_70 : memref<96xf32, #tpu.memory_space<vmem>>[vector<16xi32>], vector<16xf32>,
        %gather3A_72 = tpu.vector_load_idx %arg8[%get3A_65, %broadcast_in_dim3A_17] : memref<5x16xf32, #tpu.memory_space<vmem>>[vector<16xi32>, vector<16xi32>], vector<16xf32>,
        %scatter3A_73 = tpu.memref_slice %arg7[%mul3A_67] : memref<12288xf32, #tpu.memory_space<vmem>> -> memref<96xf32, #tpu.memory_space<vmem>>
        tpu.vector_store_idx %scatter3A_73[%add3A_33], %gather3A_72 : memref<96xf32, #tpu.memory_space<vmem>>[vector<16xi32>], vector<16xf32>,
        %gather3A_74 = tpu.vector_load_idx %arg8[%get3A_65, %broadcast_in_dim3A_19] : memref<5x16xf32, #tpu.memory_space<vmem>>[vector<16xi32>, vector<16xi32>], vector<16xf32>,
        %scatter3A_75 = tpu.memref_slice %arg7[%mul3A_67] : memref<12288xf32, #tpu.memory_space<vmem>> -> memref<96xf32, #tpu.memory_space<vmem>>
        tpu.vector_store_idx %scatter3A_75[%add3A_36], %gather3A_74 : memref<96xf32, #tpu.memory_space<vmem>>[vector<16xi32>], vector<16xf32>,
        %gather3A_76 = tpu.vector_load_idx %arg8[%get3A_65, %broadcast_in_dim3A_21] : memref<5x16xf32, #tpu.memory_space<vmem>>[vector<16xi32>, vector<16xi32>], vector<16xf32>,
        %scatter3A_77 = tpu.memref_slice %arg7[%mul3A_67] : memref<12288xf32, #tpu.memory_space<vmem>> -> memref<96xf32, #tpu.memory_space<vmem>>
        tpu.vector_store_idx %scatter3A_77[%add3A_39], %gather3A_76 : memref<96xf32, #tpu.memory_space<vmem>>[vector<16xi32>], vector<16xf32>,
        %scan3A_78 = arith.constant 0 : i32
        %scan3A_79 = arith.constant 1 : i32
        %scan3A_80 = arith.addi %scan3A_61, %scan3A_79 : i32
        %mul3A_81 = arith.constant 16 : i32
        %mul3A_82 = arith.muli %scan3A_80, %mul3A_81 : i32
        %get3A_83 = arith.index_cast %mul3A_82 : i32 to index
        %get3A_84 = tpu.vector_load %arg6[%get3A_83] {strides = array<i32>} : memref<2048xi32, #tpu.memory_space<vmem>>, vector<16xi32>,
        tpu.vector_store_idx %arg9[%get3A_84], %broadcast_in_dim3A_6 {add = true} : memref<16xf32, #tpu.memory_space<vmem>>[vector<16xi32>], vector<16xf32>,
        %mul3A_85 = arith.constant 96 : i32
        %mul3A_86 = arith.muli %scan3A_80, %mul3A_85 : i32
        %gather3A_87 = tpu.vector_load_idx %arg8[%get3A_84, %broadcast_in_dim3A_11] : memref<5x16xf32, #tpu.memory_space<vmem>>[vector<16xi32>, vector<16xi32>], vector<16xf32>,
        %scatter3A_88 = tpu.memref_slice %arg7[%mul3A_86] : memref<12288xf32, #tpu.memory_space<vmem>> -> memref<96xf32, #tpu.memory_space<vmem>>
        tpu.vector_store_idx %scatter3A_88[%add3A_24], %gather3A_87 : memref<96xf32, #tpu.memory_space<vmem>>[vector<16xi32>], vector<16xf32>,
        %gather3A_89 = tpu.vector_load_idx %arg8[%get3A_84, %broadcast_in_dim3A_13] : memref<5x16xf32, #tpu.memory_space<vmem>>[vector<16xi32>, vector<16xi32>], vector<16xf32>,
        %scatter3A_90 = tpu.memref_slice %arg7[%mul3A_86] : memref<12288xf32, #tpu.memory_space<vmem>> -> memref<96xf32, #tpu.memory_space<vmem>>
        tpu.vector_store_idx %scatter3A_90[%add3A_27], %gather3A_89 : memref<96xf32, #tpu.memory_space<vmem>>[vector<16xi32>], vector<16xf32>,
        %gather3A_91 = tpu.vector_load_idx %arg8[%get3A_84, %broadcast_in_dim3A_15] : memref<5x16xf32, #tpu.memory_space<vmem>>[vector<16xi32>, vector<16xi32>], vector<16xf32>,
        %scatter3A_92 = tpu.memref_slice %arg7[%mul3A_86] : memref<12288xf32, #tpu.memory_space<vmem>> -> memref<96xf32, #tpu.memory_space<vmem>>
        tpu.vector_store_idx %scatter3A_92[%add3A_30], %gather3A_91 : memref<96xf32, #tpu.memory_space<vmem>>[vector<16xi32>], vector<16xf32>,
        %gather3A_93 = tpu.vector_load_idx %arg8[%get3A_84, %broadcast_in_dim3A_17] : memref<5x16xf32, #tpu.memory_space<vmem>>[vector<16xi32>, vector<16xi32>], vector<16xf32>,
        %scatter3A_94 = tpu.memref_slice %arg7[%mul3A_86] : memref<12288xf32, #tpu.memory_space<vmem>> -> memref<96xf32, #tpu.memory_space<vmem>>
        tpu.vector_store_idx %scatter3A_94[%add3A_33], %gather3A_93 : memref<96xf32, #tpu.memory_space<vmem>>[vector<16xi32>], vector<16xf32>,
        %gather3A_95 = tpu.vector_load_idx %arg8[%get3A_84, %broadcast_in_dim3A_19] : memref<5x16xf32, #tpu.memory_space<vmem>>[vector<16xi32>, vector<16xi32>], vector<16xf32>,
        %scatter3A_96 = tpu.memref_slice %arg7[%mul3A_86] : memref<12288xf32, #tpu.memory_space<vmem>> -> memref<96xf32, #tpu.memory_space<vmem>>
        tpu.vector_store_idx %scatter3A_96[%add3A_36], %gather3A_95 : memref<96xf32, #tpu.memory_space<vmem>>[vector<16xi32>], vector<16xf32>,
        %gather3A_97 = tpu.vector_load_idx %arg8[%get3A_84, %broadcast_in_dim3A_21] : memref<5x16xf32, #tpu.memory_space<vmem>>[vector<16xi32>, vector<16xi32>], vector<16xf32>,
        %scatter3A_98 = tpu.memref_slice %arg7[%mul3A_86] : memref<12288xf32, #tpu.memory_space<vmem>> -> memref<96xf32, #tpu.memory_space<vmem>>
        tpu.vector_store_idx %scatter3A_98[%add3A_39], %gather3A_97 : memref<96xf32, #tpu.memory_space<vmem>>[vector<16xi32>], vector<16xf32>,
        %scan3A_99 = arith.constant 0 : i32
        %scan3A_100 = arith.constant 2 : i32
        %scan3A_101 = arith.addi %scan3A_61, %scan3A_100 : i32
        %mul3A_102 = arith.constant 16 : i32
        %mul3A_103 = arith.muli %scan3A_101, %mul3A_102 : i32
        %get3A_104 = arith.index_cast %mul3A_103 : i32 to index
        %get3A_105 = tpu.vector_load %arg6[%get3A_104] {strides = array<i32>} : memref<2048xi32, #tpu.memory_space<vmem>>, vector<16xi32>,
        tpu.vector_store_idx %arg9[%get3A_105], %broadcast_in_dim3A_6 {add = true} : memref<16xf32, #tpu.memory_space<vmem>>[vector<16xi32>], vector<16xf32>,
        %mul3A_106 = arith.constant 96 : i32
        %mul3A_107 = arith.muli %scan3A_101, %mul3A_106 : i32
        %gather3A_108 = tpu.vector_load_idx %arg8[%get3A_105, %broadcast_in_dim3A_11] : memref<5x16xf32, #tpu.memory_space<vmem>>[vector<16xi32>, vector<16xi32>], vector<16xf32>,
        %scatter3A_109 = tpu.memref_slice %arg7[%mul3A_107] : memref<12288xf32, #tpu.memory_space<vmem>> -> memref<96xf32, #tpu.memory_space<vmem>>
        tpu.vector_store_idx %scatter3A_109[%add3A_24], %gather3A_108 : memref<96xf32, #tpu.memory_space<vmem>>[vector<16xi32>], vector<16xf32>,
        %gather3A_110 = tpu.vector_load_idx %arg8[%get3A_105, %broadcast_in_dim3A_13] : memref<5x16xf32, #tpu.memory_space<vmem>>[vector<16xi32>, vector<16xi32>], vector<16xf32>,
        %scatter3A_111 = tpu.memref_slice %arg7[%mul3A_107] : memref<12288xf32, #tpu.memory_space<vmem>> -> memref<96xf32, #tpu.memory_space<vmem>>
        tpu.vector_store_idx %scatter3A_111[%add3A_27], %gather3A_110 : memref<96xf32, #tpu.memory_space<vmem>>[vector<16xi32>], vector<16xf32>,
        %gather3A_112 = tpu.vector_load_idx %arg8[%get3A_105, %broadcast_in_dim3A_15] : memref<5x16xf32, #tpu.memory_space<vmem>>[vector<16xi32>, vector<16xi32>], vector<16xf32>,
        %scatter3A_113 = tpu.memref_slice %arg7[%mul3A_107] : memref<12288xf32, #tpu.memory_space<vmem>> -> memref<96xf32, #tpu.memory_space<vmem>>
        tpu.vector_store_idx %scatter3A_113[%add3A_30], %gather3A_112 : memref<96xf32, #tpu.memory_space<vmem>>[vector<16xi32>], vector<16xf32>,
        %gather3A_114 = tpu.vector_load_idx %arg8[%get3A_105, %broadcast_in_dim3A_17] : memref<5x16xf32, #tpu.memory_space<vmem>>[vector<16xi32>, vector<16xi32>], vector<16xf32>,
        %scatter3A_115 = tpu.memref_slice %arg7[%mul3A_107] : memref<12288xf32, #tpu.memory_space<vmem>> -> memref<96xf32, #tpu.memory_space<vmem>>
        tpu.vector_store_idx %scatter3A_115[%add3A_33], %gather3A_114 : memref<96xf32, #tpu.memory_space<vmem>>[vector<16xi32>], vector<16xf32>,
        %gather3A_116 = tpu.vector_load_idx %arg8[%get3A_105, %broadcast_in_dim3A_19] : memref<5x16xf32, #tpu.memory_space<vmem>>[vector<16xi32>, vector<16xi32>], vector<16xf32>,
        %scatter3A_117 = tpu.memref_slice %arg7[%mul3A_107] : memref<12288xf32, #tpu.memory_space<vmem>> -> memref<96xf32, #tpu.memory_space<vmem>>
        tpu.vector_store_idx %scatter3A_117[%add3A_36], %gather3A_116 : memref<96xf32, #tpu.memory_space<vmem>>[vector<16xi32>], vector<16xf32>,
        %gather3A_118 = tpu.vector_load_idx %arg8[%get3A_105, %broadcast_in_dim3A_21] : memref<5x16xf32, #tpu.memory_space<vmem>>[vector<16xi32>, vector<16xi32>], vector<16xf32>,
        %scatter3A_119 = tpu.memref_slice %arg7[%mul3A_107] : memref<12288xf32, #tpu.memory_space<vmem>> -> memref<96xf32, #tpu.memory_space<vmem>>
        tpu.vector_store_idx %scatter3A_119[%add3A_39], %gather3A_118 : memref<96xf32, #tpu.memory_space<vmem>>[vector<16xi32>], vector<16xf32>,
        %scan3A_120 = arith.constant 0 : i32
        %scan3A_121 = arith.constant 3 : i32
        %scan3A_122 = arith.addi %scan3A_61, %scan3A_121 : i32
        %mul3A_123 = arith.constant 16 : i32
        %mul3A_124 = arith.muli %scan3A_122, %mul3A_123 : i32
        %get3A_125 = arith.index_cast %mul3A_124 : i32 to index
        %get3A_126 = tpu.vector_load %arg6[%get3A_125] {strides = array<i32>} : memref<2048xi32, #tpu.memory_space<vmem>>, vector<16xi32>,
        tpu.vector_store_idx %arg9[%get3A_126], %broadcast_in_dim3A_6 {add = true} : memref<16xf32, #tpu.memory_space<vmem>>[vector<16xi32>], vector<16xf32>,
        %mul3A_127 = arith.constant 96 : i32
        %mul3A_128 = arith.muli %scan3A_122, %mul3A_127 : i32
        %gather3A_129 = tpu.vector_load_idx %arg8[%get3A_126, %broadcast_in_dim3A_11] : memref<5x16xf32, #tpu.memory_space<vmem>>[vector<16xi32>, vector<16xi32>], vector<16xf32>,
        %scatter3A_130 = tpu.memref_slice %arg7[%mul3A_128] : memref<12288xf32, #tpu.memory_space<vmem>> -> memref<96xf32, #tpu.memory_space<vmem>>
        tpu.vector_store_idx %scatter3A_130[%add3A_24], %gather3A_129 : memref<96xf32, #tpu.memory_space<vmem>>[vector<16xi32>], vector<16xf32>,
        %gather3A_131 = tpu.vector_load_idx %arg8[%get3A_126, %broadcast_in_dim3A_13] : memref<5x16xf32, #tpu.memory_space<vmem>>[vector<16xi32>, vector<16xi32>], vector<16xf32>,
        %scatter3A_132 = tpu.memref_slice %arg7[%mul3A_128] : memref<12288xf32, #tpu.memory_space<vmem>> -> memref<96xf32, #tpu.memory_space<vmem>>
        tpu.vector_store_idx %scatter3A_132[%add3A_27], %gather3A_131 : memref<96xf32, #tpu.memory_space<vmem>>[vector<16xi32>], vector<16xf32>,
        %gather3A_133 = tpu.vector_load_idx %arg8[%get3A_126, %broadcast_in_dim3A_15] : memref<5x16xf32, #tpu.memory_space<vmem>>[vector<16xi32>, vector<16xi32>], vector<16xf32>,
        %scatter3A_134 = tpu.memref_slice %arg7[%mul3A_128] : memref<12288xf32, #tpu.memory_space<vmem>> -> memref<96xf32, #tpu.memory_space<vmem>>
        tpu.vector_store_idx %scatter3A_134[%add3A_30], %gather3A_133 : memref<96xf32, #tpu.memory_space<vmem>>[vector<16xi32>], vector<16xf32>,
        %gather3A_135 = tpu.vector_load_idx %arg8[%get3A_126, %broadcast_in_dim3A_17] : memref<5x16xf32, #tpu.memory_space<vmem>>[vector<16xi32>, vector<16xi32>], vector<16xf32>,
        %scatter3A_136 = tpu.memref_slice %arg7[%mul3A_128] : memref<12288xf32, #tpu.memory_space<vmem>> -> memref<96xf32, #tpu.memory_space<vmem>>
        tpu.vector_store_idx %scatter3A_136[%add3A_33], %gather3A_135 : memref<96xf32, #tpu.memory_space<vmem>>[vector<16xi32>], vector<16xf32>,
        %gather3A_137 = tpu.vector_load_idx %arg8[%get3A_126, %broadcast_in_dim3A_19] : memref<5x16xf32, #tpu.memory_space<vmem>>[vector<16xi32>, vector<16xi32>], vector<16xf32>,
        %scatter3A_138 = tpu.memref_slice %arg7[%mul3A_128] : memref<12288xf32, #tpu.memory_space<vmem>> -> memref<96xf32, #tpu.memory_space<vmem>>
        tpu.vector_store_idx %scatter3A_138[%add3A_36], %gather3A_137 : memref<96xf32, #tpu.memory_space<vmem>>[vector<16xi32>], vector<16xf32>,
        %gather3A_139 = tpu.vector_load_idx %arg8[%get3A_126, %broadcast_in_dim3A_21] : memref<5x16xf32, #tpu.memory_space<vmem>>[vector<16xi32>, vector<16xi32>], vector<16xf32>,
        %scatter3A_140 = tpu.memref_slice %arg7[%mul3A_128] : memref<12288xf32, #tpu.memory_space<vmem>> -> memref<96xf32, #tpu.memory_space<vmem>>
        tpu.vector_store_idx %scatter3A_140[%add3A_39], %gather3A_139 : memref<96xf32, #tpu.memory_space<vmem>>[vector<16xi32>], vector<16xf32>,
        %scan3A_141 = arith.constant 0 : i32
        scf.yield %scan3A_141 : i32
      }
      %scan3A_57 = arith.constant 128 : i32
      %mul3A_58 = arith.constant 6 : i32
      %mul3A_59 = arith.muli %add3A_50, %mul3A_58 : i32
      "tpu.region"() ({
        %run_scoped3A = tpu.sem_alloc : memref<!tpu.dma_semaphore, #tpu.memory_space<semaphore_mem>>
        %dma_start3A = tpu.memref_slice %arg4[%mul3A_59] : memref<19660800xf32, #tpu.memory_space<hbm>> -> memref<12288xf32, #tpu.memory_space<hbm>>
        %dma_start3A_61 = tpu.memref_slice %arg4[%mul3A_59] : memref<19660800xf32, #tpu.memory_space<hbm>> -> memref<12288xf32, #tpu.memory_space<hbm>>
        tpu.enqueue_dma source(%arg7 : memref<12288xf32, #tpu.memory_space<vmem>>) target(%dma_start3A_61 : memref<12288xf32, #tpu.memory_space<hbm>>) target_semaphore(%run_scoped3A : memref<!tpu.dma_semaphore, #tpu.memory_space<semaphore_mem>>)
        %dma_wait3A = tpu.memref_slice %arg4[%mul3A_59] : memref<19660800xf32, #tpu.memory_space<hbm>> -> memref<12288xf32, #tpu.memory_space<hbm>>
        %dma_wait3A_62 = tpu.memref_slice %arg4[%mul3A_59] : memref<19660800xf32, #tpu.memory_space<hbm>> -> memref<12288xf32, #tpu.memory_space<hbm>>
        tpu.wait_dma2 semaphore(%run_scoped3A : memref<!tpu.dma_semaphore, #tpu.memory_space<semaphore_mem>>) src(%arg7 : memref<12288xf32, #tpu.memory_space<vmem>>) dst(%dma_wait3A_62 : memref<12288xf32, #tpu.memory_space<hbm>>)
        tpu.yield
      }) : () -> ()
      %scan3A_60 = arith.constant 0 : i32
      scf.yield %scan3A_60 : i32
    }
    %scan3A_45 = arith.constant 50 : i32
    "tpu.region"() ({
      %run_scoped3A = tpu.sem_alloc : memref<!tpu.dma_semaphore, #tpu.memory_space<semaphore_mem>>
      %dma_start3A = arith.constant 0 : i32
      %dma_start3A_46 = tpu.memref_slice %arg5[%add3A, %dma_start3A] : memref<32x16xf32, #tpu.memory_space<hbm>> -> memref<1x16xf32, #tpu.memory_space<hbm>>
      %dma_start3A_47 = tpu.memref_squeeze %dma_start3A_46 : memref<1x16xf32, #tpu.memory_space<hbm>> -> memref<16xf32, #tpu.memory_space<hbm>>
      %dma_start3A_48 = arith.constant 0 : i32
      %dma_start3A_49 = tpu.memref_slice %arg5[%add3A, %dma_start3A_48] : memref<32x16xf32, #tpu.memory_space<hbm>> -> memref<1x16xf32, #tpu.memory_space<hbm>>
      %dma_start3A_50 = tpu.memref_squeeze %dma_start3A_49 : memref<1x16xf32, #tpu.memory_space<hbm>> -> memref<16xf32, #tpu.memory_space<hbm>>
      tpu.enqueue_dma source(%arg9 : memref<16xf32, #tpu.memory_space<vmem>>) target(%dma_start3A_50 : memref<16xf32, #tpu.memory_space<hbm>>) target_semaphore(%run_scoped3A : memref<!tpu.dma_semaphore, #tpu.memory_space<semaphore_mem>>)
      %dma_wait3A = arith.constant 0 : i32
      %dma_wait3A_51 = tpu.memref_slice %arg5[%add3A, %dma_wait3A] : memref<32x16xf32, #tpu.memory_space<hbm>> -> memref<1x16xf32, #tpu.memory_space<hbm>>
      %dma_wait3A_52 = tpu.memref_squeeze %dma_wait3A_51 : memref<1x16xf32, #tpu.memory_space<hbm>> -> memref<16xf32, #tpu.memory_space<hbm>>
      %dma_wait3A_53 = arith.constant 0 : i32
      %dma_wait3A_54 = tpu.memref_slice %arg5[%add3A, %dma_wait3A_53] : memref<32x16xf32, #tpu.memory_space<hbm>> -> memref<1x16xf32, #tpu.memory_space<hbm>>
      %dma_wait3A_55 = tpu.memref_squeeze %dma_wait3A_54 : memref<1x16xf32, #tpu.memory_space<hbm>> -> memref<16xf32, #tpu.memory_space<hbm>>
      tpu.wait_dma2 semaphore(%run_scoped3A : memref<!tpu.dma_semaphore, #tpu.memory_space<semaphore_mem>>) src(%arg9 : memref<16xf32, #tpu.memory_space<vmem>>) dst(%dma_wait3A_55 : memref<16xf32, #tpu.memory_space<hbm>>)
      tpu.yield
    }) : () -> ()
    return
  }
}

module attributes {stable_mosaic.version = 14 : i64} {
  func.func @_finale_body(%arg0: memref<32x16xf32, #tpu.memory_space<vmem>>, %arg1: memref<5x6xf32, #tpu.memory_space<vmem>>, %arg2: memref<2x6xf32, #tpu.memory_space<vmem>>, %arg3: memref<1x2xf32, #tpu.memory_space<vmem>>, %arg4: memref<1x2xf32, #tpu.memory_space<vmem>>) attributes {dimension_semantics = [], scalar_prefetch = 0 : i64, scratch_operands = 0 : i64, tpu.core_type = #tpu.core_type<tc>} {
    %get3A = arith.constant 0 : index
    %get3A_0 = arith.constant 0 : index
    %get3A_1 = vector.load %arg0[%get3A, %get3A_0] : memref<32x16xf32, #tpu.memory_space<vmem>>, vector<32x16xf32>
    %reduce_sum3A = arith.constant dense<0.000000e+00> : vector<16xf32>
    %reduce_sum3A_2 = vector.multi_reduction <add>, %get3A_1, %reduce_sum3A [0] : vector<32x16xf32> to vector<16xf32>
    %broadcast_in_dim3A = vector.shape_cast %reduce_sum3A_2 : vector<16xf32> to vector<1x16xf32>
    %iota3A = tpu.iota {dimensions = array<i32: 0>} : vector<16x5xi32>
    %iota3A_3 = tpu.iota {dimensions = array<i32: 1>} : vector<16x5xi32>
    %eq3A = arith.cmpi eq, %iota3A, %iota3A_3 : vector<16x5xi32>
    %jit3A = arith.constant 1.000000e+00 : f32
    %jit3A_4 = arith.constant 0.000000e+00 : f32
    %broadcast_in_dim3A_5 = vector.broadcast %jit3A : f32 to vector<16x5xf32>
    %broadcast_in_dim3A_6 = vector.broadcast %jit3A_4 : f32 to vector<16x5xf32>
    %select_n3A = arith.select %eq3A, %broadcast_in_dim3A_5, %broadcast_in_dim3A_6 : vector<16x5xi1>, vector<16x5xf32>
    %dot_general3A = arith.constant dense<0.000000e+00> : vector<1x5xf32>
    %dot_general3A_7 = tpu.matmul %broadcast_in_dim3A, %select_n3A, %dot_general3A {dimension_numbers = #tpu.dot_dimension_numbers<[1], [0], [0], [1], [0, 0, 1, 1], [], []>, transpose_lhs_hint = false} : vector<1x16xf32>, vector<16x5xf32>, vector<1x5xf32> -> vector<1x5xf32>
    %get3A_8 = arith.constant 0 : index
    %get3A_9 = arith.constant 0 : index
    %get3A_10 = vector.load %arg1[%get3A_8, %get3A_9] : memref<5x6xf32, #tpu.memory_space<vmem>>, vector<5x6xf32>
    %dot_general3A_11 = arith.constant dense<0.000000e+00> : vector<1x6xf32>
    %dot_general3A_12 = tpu.matmul %dot_general3A_7, %get3A_10, %dot_general3A_11 {dimension_numbers = #tpu.dot_dimension_numbers<[1], [0], [0], [1], [0, 0, 1, 1], [], []>, transpose_lhs_hint = false} : vector<1x5xf32>, vector<5x6xf32>, vector<1x6xf32> -> vector<1x6xf32>
    %mul3A = arith.constant 3.05175774E-7 : f32
    %mul3A_13 = vector.broadcast %mul3A : f32 to vector<1x6xf32>
    %mul3A_14 = arith.mulf %dot_general3A_12, %mul3A_13 : vector<1x6xf32>
    %get3A_15 = arith.constant 0 : index
    %get3A_16 = arith.constant 0 : index
    %get3A_17 = vector.load %arg2[%get3A_15, %get3A_16] : memref<2x6xf32, #tpu.memory_space<vmem>>, vector<2x6xf32>
    %transpose3A = tpu.transpose %get3A_17, [1, 0] : vector<2x6xf32> -> vector<6x2xf32>
    %dot_general3A_18 = arith.constant dense<0.000000e+00> : vector<1x2xf32>
    %dot_general3A_19 = tpu.matmul %mul3A_14, %transpose3A, %dot_general3A_18 {dimension_numbers = #tpu.dot_dimension_numbers<[1], [0], [0], [1], [0, 0, 1, 1], [], []>, transpose_lhs_hint = false} : vector<1x6xf32>, vector<6x2xf32>, vector<1x2xf32> -> vector<1x2xf32>
    %get3A_20 = arith.constant 0 : index
    %get3A_21 = arith.constant 0 : index
    %get3A_22 = vector.load %arg3[%get3A_20, %get3A_21] : memref<1x2xf32, #tpu.memory_space<vmem>>, vector<1x2xf32>
    %add3A = arith.addf %dot_general3A_19, %get3A_22 : vector<1x2xf32>
    %swap3A = arith.constant 0 : index
    %swap3A_23 = arith.constant 0 : index
    %swap3A_24 = vector.load %arg4[%swap3A, %swap3A_23] : memref<1x2xf32, #tpu.memory_space<vmem>>, vector<1x2xf32>
    tpu.vector_store %arg4[%swap3A, %swap3A_23], %add3A {strides = array<i32>} : memref<1x2xf32, #tpu.memory_space<vmem>>, vector<1x2xf32>,
    return
  }
}

</mosaic_0001>

<sc_bundles>
// kernel: kernel.4.cloned.1.call-start
scs
__scs_entry_jumppad:
0x0: {  	(pc) =	sbr.rel $0x88, $3  }
0x1: {  	(tag) =	ssettag $0x0;
	lr =	simm.s32 $0x1  }
0x2: {  	[smem:$0x3F9D] =	sst lr;
	_ =	strace $0xD0000000  }
0x3: {  	_ = 	snop  }
0x4: {  	_ = 	snop  }
0x5: {  	_ = 	snop  }
0x6: {  	_ = 	snop  }
0x7: {  	_ = 	snop  }
__scs_overlays_trampoline_lowered:
0x8: {  	[smem:$0x3FAC] =	sst s0  }
0x9: {  	[smem:$0x3FAD] =	sst s1  }
0xa: {  	[smem:$0x3FAE] =	sst s2  }
0xb: {  	[smem:$0x3FAF] =	sst s3  }
0xc: {  	[smem:$0x3FB0] =	sst s4  }
0xd: {  	[smem:$0x3FB1] =	sst s5  }
0xe: {  	[smem:$0x3FB2] =	sst s6  }
0xf: {  	[smem:$0x3FB3] =	sst s7  }
0x10: {  	[smem:$0x3FB4] =	sst s8  }
0x11: {  	[smem:$0x3FB5] =	sst s9;
	s0 =	simm.s32 @!p0 $0x0  }
0x12: {  	s1 =	sld [smem:$0x3F9B];
	s0 =	simm.s32 @p0 $0x1  }
0x13: {  	[smem:$0x3FB6] =	sst s0;
	s0 =	simm.s32 @!p1 $0x0  }
0x14: {  	s2 =	sld [smem:$0x3F9A];
	s0 =	simm.s32 @p1 $0x1  }
0x15: {  	[smem:$0x3FB7] =	sst s0;
	s0 =	simm.s32 @!p2 $0x0  }
0x16: {  	s3 =	sld [smem:$0x3FDB];
	s0 =	simm.s32 @p2 $0x1  }
0x17: {  	s4 =	simm.s32 $0x1BF5;
	[smem:$0x3FB9] =	sst s0  }
0x18: {  	s0 =	sld [smem:$0x3F9C];
	_ =	swait.ge [sflag:s4], $0x0  }
0x19: {  	s7 =	sld [smem:$0x3F9D]  }
0x1a: {  	s8 =	sadd.s32 $0xFFFFE003, lr  }
0x1b: {  	s9 =	sadd.s32 $0xFFFFFEF7, lr;
	s5 =	simm.s32 $0xFFFFFFFF;
	p2 =	slt.u32 s8, $0xFFFFF086  }
0x1c: {  	p1 =	slt.u32 s9, $0xF7A;
	s5 =	simm.s32 @!p2 $0x0  }
0x1d: {  	s5 =	simm.s32 @p1 $0x1;
	p0 =	seq.s32 s7, s2  }
0x1e: {  	s7 =	smul.u32 @!p0 $0xF7A, s2;
	p2 =	seq.s32 @!p0 s5, $0x0  }
0x1f: {  	s9 =	smul.u32 $0xF7A, s1;
	s8 =	simm.s32 @!p0 $0x1BF5;
	p2 =	por !p2, p0  }
0x20: {  	[sflag:s8] =	ssyncset.s32 @!p0 $0xFFFFF086;
	s6 =	sadd.s32 @!p0 s3, s7;
	s7 =	simm.s32 @!p0 $0x108  }
0x21: {  	s3 =	sadd.s32 s3, s9;
	s6 =	sadd.s32 @!p0 $0x88, s6;
	s7 =	simm.s32 @p2 $0x1082  }
0x22: {  	[simem:s7], [sflag:s8] =	dma.local @!p0 [hbm:s6], $0xF7A  }
0x23: {  	s9 =	sor.u32 $0xD0000000, s2;
	s6 =	simm.s32 $0x108;
	_ =	swait.ge @!p0 [sflag:s8], $0x0  }
0x24: {  	s3 =	sadd.s32 $0x88, s3;
	s6 =	simm.s32 @!p1 $0x1082;
	[sflag:s4] =	ssyncset.s32 $0xFFFFF086  }
0x25: {  	[simem:s6], [sflag:s4] =	dma.local [hbm:s3], $0xF7A  }
0x26: {  	[smem:$0x3F9D] =	sst s1;
	(tag) =	ssettag s2;
	_ =	strace s9  }
0x27: {  	s1 =	sld [smem:$0x3FAD]  }
0x28: {  	s2 =	sld [smem:$0x3FAE]  }
0x29: {  	s4 =	sld [smem:$0x3FB0]  }
0x2a: {  	p0 =	seq.s32 s5, $0x0;
	s5 =	sld [smem:$0x3FB1]  }
0x2b: {  	s6 =	sld [smem:$0x3FB2]  }
0x2c: {  	s7 =	sld [smem:$0x3FB3]  }
0x2d: {  	s3 =	simm.s32 $0x108;
	s8 =	sld [smem:$0x3FB4]  }
0x2e: {  	s3 =	simm.s32 @!p0 $0x1082;
	s9 =	sld [smem:$0x3FB5]  }
0x2f: {  	lr =	sadd.s32 s0, s3;
	s0 =	sld [smem:$0x3FAC]  }
0x30: {  	s3 =	sld [smem:$0x3FAF]  }
0x31: {  	[smem:$0x3FB8] =	sst s10  }
0x32: {  	s10 =	sld [smem:$0x3FB6];
	_ =	sdelay $0x3  }
0x33: {  	p0 =	seq.s32 s10, $0x1;
	s10 =	sld [smem:$0x3FB8];
	_ =	sdelay $0x3  }
0x34: {  	[smem:$0x3FB8] =	sst s10  }
0x35: {  	s10 =	sld [smem:$0x3FB7];
	_ =	sdelay $0x3  }
0x36: {  	p1 =	seq.s32 s10, $0x1;
	s10 =	sld [smem:$0x3FB8];
	_ =	sdelay $0x3  }
0x37: {  	[smem:$0x3FB8] =	sst s10  }
0x38: {  	s10 =	sld [smem:$0x3FB9]  }
0x39: {  	_ = 	snop;
	(pc) =	sbr.ind lr, $3  }
0x3a: {  	_ = 	snop  }
0x3b: {  	_ = 	snop  }
0x3c: {  	p2 =	seq.s32 s10, $0x1;
	s10 =	sld [smem:$0x3FB8]  }
0x3d: {  	_ =	shalt  }
0x3e: {  	_ =	shalt  }
0x3f: {  	_ =	shalt  }
0x40: {  	_ =	shalt  }
0x41: {  	_ =	shalt  }
0x42: {  	_ =	shalt  }
0x43: {  	_ =	shalt  }
0x44: {  	_ =	shalt  }
0x45: {  	_ =	shalt  }
0x46: {  	_ =	shalt  }
0x47: {  	_ =	shalt  }
0x48: {  	_ =	shalt  }
0x49: {  	_ =	shalt  }
0x4a: {  	_ =	shalt  }
0x4b: {  	_ =	shalt  }
0x4c: {  	_ =	shalt  }
0x4d: {  	_ =	shalt  }
0x4e: {  	_ =	shalt  }
0x4f: {  	_ =	shalt  }
0x50: {  	_ =	shalt  }
0x51: {  	_ =	shalt  }
0x52: {  	_ =	shalt  }
0x53: {  	_ =	shalt  }
0x54: {  	_ =	shalt  }
0x55: {  	_ =	shalt  }
0x56: {  	_ =	shalt  }
0x57: {  	_ =	shalt  }
0x58: {  	_ =	shalt  }
0x59: {  	_ =	shalt  }
0x5a: {  	_ =	shalt  }
0x5b: {  	_ =	shalt  }
0x5c: {  	_ =	shalt  }
0x5d: {  	_ =	shalt  }
0x5e: {  	_ =	shalt  }
0x5f: {  	_ =	shalt  }
0x60: {  	_ =	shalt  }
0x61: {  	_ =	shalt  }
0x62: {  	_ =	shalt  }
0x63: {  	_ =	shalt  }
0x64: {  	_ =	shalt  }
0x65: {  	_ =	shalt  }
0x66: {  	_ =	shalt  }
0x67: {  	_ =	shalt  }
0x68: {  	_ =	shalt  }
0x69: {  	_ =	shalt  }
0x6a: {  	_ =	shalt  }
0x6b: {  	_ =	shalt  }
0x6c: {  	_ =	shalt  }
0x6d: {  	_ =	shalt  }
0x6e: {  	_ =	shalt  }
0x6f: {  	_ =	shalt  }
0x70: {  	_ =	shalt  }
0x71: {  	_ =	shalt  }
0x72: {  	_ =	shalt  }
0x73: {  	_ =	shalt  }
0x74: {  	_ =	shalt  }
0x75: {  	_ =	shalt  }
0x76: {  	_ =	shalt  }
0x77: {  	_ =	shalt  }
0x78: {  	_ =	shalt  }
0x79: {  	_ =	shalt  }
0x7a: {  	_ =	shalt  }
0x7b: {  	_ =	shalt  }
0x7c: {  	_ =	shalt  }
0x7d: {  	_ =	shalt  }
0x7e: {  	_ =	shalt  }
0x7f: {  	_ =	shalt  }
0x80: {  	_ =	shalt  }
0x81: {  	_ =	shalt  }
0x82: {  	_ =	shalt  }
0x83: {  	_ =	shalt  }
0x84: {  	_ =	shalt  }
0x85: {  	_ =	shalt  }
0x86: {  	_ =	shalt  }
0x87: {  	_ =	shalt  }
.Lfunc_end0:
.L_simem_size_0:
called_computation.1_lowered:
.L_overlay_start_0:
0x88: {  	s2 =	sld [smem:$0x3FD9]  }
0x89: {  	s3 =	sld [smem:$0x3FFE];
	_ =	sdelay $0x1  }
0x8a: {  	s1 =	srdreg.scid  }
0x8b: {  	s0 =	sand.u32 $0x1, s1  }
0x8c: {  	s14 =	sshll.u32 s0, $0xA;
	s2 =	sadd.s32 s3, s2  }
0x8d: {  	s2 =	sadd.s32 s2, s14  }
0x8e: {  	[smem:$0x3FC4] =	sst s2  }
0x8f: {  	_ = 	snop  }
0x90: {  	s2 =	sld [smem:$0x3FD0];
	_ =	sdelay $0x2  }
0x91: {  	s4 =	simm.s32 $0xA;
	s5 =	simm.s32 $0x10;
	s15 =	sld [smem:$0x3FC9]  }
0x92: {  	[smem:s5], [sflag:s4] =	dma.local [hbm:s2], $0x1  }
0x93: {  	_ =	swait.eq [sflag:s4], $0x1  }
0x94: {  	[sflag:s4] =	ssyncset.done $0x0  }
0x95: {  	s16 =	sld [smem:$0x10];
	[sflag:s4] =	ssyncadd.s32 $0xFFFFFFFF  }
0x96: {  	s17 =	sld [smem:$0x11];
	(tm) =	ssettm $0x1  }
0x97: {  	s18 =	sld [smem:$0x3FFB];
	_ =	sdelay $0x3  }
0x98: {  	_ =	strace s18  }
0x99: {  	s5 =	sld [smem:$0x3FFC];
	_ =	sdelay $0x3  }
0x9a: {  	_ =	strace s5  }
0x9b: {  	s5 =	sld [smem:$0x3FFD];
	_ =	sdelay $0x3  }
0x9c: {  	_ =	strace s5  }
0x9d: {  	_ =	strace $0x8FFFFFFF  }
0x9e: {  	s19 =	sld [smem:$0x3FDB];
	_ =	sdelay $0x1  }
0x9f: {  	s6 =	simm.s32 $_scs_section_size  }
0xa0: {  	s7 =	simm.s32 $_size__tile_overlayer_lowered;
	s8 =	simm.s32 $_tile_overlayer_lowered  }
0xa1: {  	s22 =	simm.s32 $0x1BFF;
	s21 =	sshll.u32 s8, $0x1;
	s5 =	sadd.s32 s6, s19  }
0xa2: {  	s9 =	simm.s32 $0x0;
	s20 =	sshll.u32 s7, $0x1;
	s7 =	sadd.s32 s21, s5  }
0xa3: {  	[timem:s9], [sflag:s22] =	dma.local [hbm:s7], s20  }
0xa4: {  	_ =	swait.ge [sflag:s22], s20  }
0xa5: {  	s6 =	ssub.s32 $0x0, s20;
	[sflag:s22] =	ssyncset.done $0x0  }
0xa6: {  	[sflag:s22] =	ssyncadd.s32 s6;
	_ =	sdelay $0x1  }
0xa7: {  	s23 =	simm.s32 $0x1B8B  }
0xa8: {  	_ =	swait.ge [sflag:s23], $0x1  }
0xa9: {  	[sflag:s23] =	ssyncset.done $0x0  }
0xaa: {  	s25 =	simm.s32 $0x1B8E;
	s24 =	sld [smem:$0x3FFE];
	[sflag:s23] =	ssyncadd.s32 $0xFFFFFFFF  }
0xab: {  	s26 =	simm.s32 $execute0_lowered;
	[smem:$0x3FD2] =	sst s25  }
0xac: {  	s7 =	sshll.u32 s26, $0x1;
	_ =	strace $0x80000046;
	[dreg:$0x1] =	wrdreg $0xFFFFFFFF  }
0xad: {  	s28 =	simm.s32 $_size_execute0_lowered;
	s5 =	sadd.s32 s5, s7;
	[dreg:$0x0] =	wrdreg $0x0  }
0xae: {  	s7 =	sshll.u32 s28, $0x1;
	[dreg:$0x2] =	wrdreg s5  }
0xaf: {  	[dreg:$0x3] =	wrdreg s7  }
0xb0: {  	[dreg:$0x4] =	wrdreg $0xC0  }
0xb1: {  	_ =	task [dreg:s9], $0x5FFFF  }
0xb2: {  	[dreg:$0x1] =	wrdreg $0xFFFFFFFF  }
0xb3: {  	[dreg:$0x0] =	wrdreg $0x60  }
0xb4: {  	[dreg:$0x2] =	wrdreg s15  }
0xb5: {  	[dreg:$0x3] =	wrdreg s16  }
0xb6: {  	[dreg:$0x4] =	wrdreg s17  }
0xb7: {  	[dreg:$0x5] =	wrdreg s24  }
0xb8: {  	[dreg:$0x6] =	wrdreg $0x9  }
0xb9: {  	_ =	task.clear_ibuf [dreg:s9], $0x7FFFF;
	_ =	strace $0x90000046  }
0xba: {  	s29 =	simm.s32 $0x9;
	_ =	strace $0x80000048  }
0xbb: {  	_ =	swait.ge [sflag:s29], $0x1  }
0xbc: {  	[sflag:s29] =	ssyncadd.s32 $0xFFFFFFFF  }
0xbd: {  	_ =	strace $0x90000048  }
0xbe: {  	_ =	sfence  }
0xbf: {  	s30 =	sld [smem:$0x0];
	_ =	sdelay $0x2  }
0xc0: {  	s31 =	sshll.u32 s1, $0xD;
	s1 =	sshrl.u32 s1, $0x2  }
0xc1: {  	s3 =	sand.u32 $0x4000, s31;
	s1 =	sadd.s32 s1, s30  }
0xc2: {  	s0 =	sor.u32 s3, s0;
	s1 =	sshll.u32 s1, $0x11  }
0xc3: {  	s0 =	sor.u32 s1, s0  }
0xc4: {  	s0 =	sadd.s32 $0x8F2B, s0  }
0xc5: {  	[sflag:s0] =	ssyncadd.remote.s32 $0x1  }
0xc6: {  	_ =	sfence.sel $0xFFFF  }
0xc7: {  	[dreg:$0x0] =	wrdreg $0xFFFFFFFF;
	(pc) =	sbr.abs _section_cstart, $3  }
0xc8: {  	[dreg:$0x1] =	wrdreg $0xFFFFFFFF  }
0xc9: {  	_ =	task.clear_ibuf [dreg:s9], $0x2FFFF;
	_ =	strace $0x9FFFFFFF  }
0xca: {  	(tm) =	ssettm $0x7FFFFFFF  }
0xcb: {  	_ =	shalt  }
tec
execute0_lowered:
.L_overlay_start_1:
0x0: {  	(tag) =	ssettag $0x1  }
0x1: {  	s1 =	rddreg [dreg:$0x0]  }
0x2: {  	s2 =	rddreg [dreg:$0x1]  }
0x3: {  	s4 =	rddreg [dreg:$0x2]  }
0x4: {  	s3 =	srdreg.scid;
	s0 =	stileid.u32  }
0x5: {  	s6 =	rddreg [dreg:$0x3];
	s5 =	simm.s32 $0x0;
	s11 =	simm.s32 $0x3850  }
0x6: {  	s12 =	simm.s32 $0x800;
	s7 =	sand.u32 $0x1, s3;
	s8 =	sshll.u32 s0, $0x1  }
0x7: {  	v0 =	vlaneseq.u32;
	s13 =	simm.s32 $0x0;
	s3 =	rddreg [dreg:$0x4];
	s8 =	sor.u32 s7, s8  }
0x8: {  	[smem:$0x7FF] =	sst s5;
	v0 =	vmul.u32 $0x6, v0;
	s7 =	ssub.s32 $0x2, s7;
	s9 =	sshll.u32 s8, $0x1  }
0x9: {  	v1 =	vimm.f32 $0.0e+00;
	_ =	strace $0x80000047;
	s31 =	sshrl.u32 s7, $0x1;
	s9 =	sadd.s32 s9, s6  }
0xa: {  	v2 =	vimm.f32 $1.000000000e+00;
	v3 =	vor.u32 $0x1, v0;
	v4 =	vadd.s32 $0x2, v0;
	s10 =	ssub.s32 s7, s31;
	s6 =	smul.u32 $0x19000, s8;
	s7 =	sadd.s32 $0x1400, s9  }
0xb: {  	v5 =	vadd.s32 $0x3, v0;
	v6 =	vadd.s32 $0x4, v0;
	v7 =	vadd.s32 $0x5, v0;
	s8 =	smax.u32 s10, $0x1;
	s9 =	simm.s32 $0x3800;
	s10 =	simm.s32 $0x1  }
.LBB2_1:
0xc: {  	[tilespmem:s9], [sflag:$0x1] =	stream.linear.gather [hbm4b:s2+s5], $0x50, $0x38;
	[tilespmem:$0x3860] =	vst v63  }
0xd: {  	_ =	swait.ge [sflag:s10], $0x50  }
0xe: {  	[sflag:s10] =	ssyncset.done $0x0  }
0xf: {  	[sflag:s10] =	ssyncadd.s32 $0xFFFFFFB0  }
0x10: {  	s14 =	simm.s32 $0x0;
	[tilespmem:$0x3850] =	vst v1  }
.LBB2_2:
0x11: {  	s15 =	sshll.u32 s14, $0xB  }
0x12: {  	s15 =	sadd.s32 s6, s15  }
0x13: {  	s16 =	sshrl.u32 s15, $0x3  }
0x14: {  	s16 =	sadd.s32 s1, s16  }
0x15: {  	[tilespmem:s5], [sflag:$0x1] =	stream.linear.gather [hbm4b:s16+s5], $0x800, $0x38;
	[tilespmem:$0x3860] =	vst v63  }
0x16: {  	_ =	swait.ge [sflag:s10], $0x800  }
0x17: {  	s17 =	simm.s32 $0x920;
	[sflag:s10] =	ssyncset.done $0x0  }
0x18: {  	s18 =	simm.s32 $0x20;
	s16 =	simm.s32 $0xFFFFFFFC;
	[sflag:s10] =	ssyncadd.s32 $0xFFFFF800  }
.LBB2_3:
0x19: {  	v8 =	vld [tilespmem:s18+$0xFFFFFFE0];
	_ =	sdelay $0x4  }
0x1a: {  	v9 =	vshll.u32 v8, $0x4;
	_ =	sdelay $0x3  }
0x1b: {  	[tilespmem:v8+s11+$0x0] =	vst.idx.add.f32.msk $0xffff, v2  }
0x1c: {  	v8 =	vld.idx.msk [tilespmem:v9+s9+$0x0], $0xffff  }
0x1d: {  	v10 =	vor.u32 $0x1, v9;
	_ =	sdelay $0x3  }
0x1e: {  	[tilespmem:v0+s17+$0xFFFFFEE0] =	vst.idx.msk $0xffff, v8  }
0x1f: {  	v8 =	vld.idx.msk [tilespmem:v10+s9+$0x0], $0xffff  }
0x20: {  	v46 =	vor.u32 $0x2, v9;
	_ =	sdelay $0x3  }
0x21: {  	[tilespmem:v3+s17+$0xFFFFFEE0] =	vst.idx.msk $0xffff, v8  }
0x22: {  	v8 =	vld.idx.msk [tilespmem:v46+s9+$0x0], $0xffff  }
0x23: {  	v47 =	vor.u32 $0x3, v9;
	_ =	sdelay $0x3  }
0x24: {  	[tilespmem:v4+s17+$0xFFFFFEE0] =	vst.idx.msk $0xffff, v8  }
0x25: {  	v8 =	vld.idx.msk [tilespmem:v47+s9+$0x0], $0xffff  }
0x26: {  	v48 =	vor.u32 $0x4, v9;
	_ =	sdelay $0x3  }
0x27: {  	[tilespmem:v5+s17+$0xFFFFFEE0] =	vst.idx.msk $0xffff, v8  }
0x28: {  	v8 =	vld.idx.msk [tilespmem:v48+s9+$0x0], $0xffff  }
0x29: {  	v9 =	vor.u32 $0x5, v9;
	_ =	sdelay $0x3  }
0x2a: {  	[tilespmem:v6+s17+$0xFFFFFEE0] =	vst.idx.msk $0xffff, v8  }
0x2b: {  	v8 =	vld.idx.msk [tilespmem:v9+s9+$0x0], $0xffff;
	_ =	sdelay $0x4  }
0x2c: {  	[tilespmem:v7+s17+$0xFFFFFEE0] =	vst.idx.msk $0xffff, v8  }
0x2d: {  	v8 =	vld [tilespmem:s18+$0xFFFFFFF0];
	_ =	sdelay $0x4  }
0x2e: {  	v49 =	vshll.u32 v8, $0x4;
	_ =	sdelay $0x3  }
0x2f: {  	[tilespmem:v8+s11+$0x0] =	vst.idx.add.f32.msk $0xffff, v2  }
0x30: {  	v8 =	vld.idx.msk [tilespmem:v49+s9+$0x0], $0xffff  }
0x31: {  	v50 =	vor.u32 $0x1, v49;
	_ =	sdelay $0x3  }
0x32: {  	[tilespmem:v0+s17+$0xFFFFFF40] =	vst.idx.msk $0xffff, v8  }
0x33: {  	v8 =	vld.idx.msk [tilespmem:v50+s9+$0x0], $0xffff  }
0x34: {  	v51 =	vor.u32 $0x2, v49;
	_ =	sdelay $0x3  }
0x35: {  	[tilespmem:v3+s17+$0xFFFFFF40] =	vst.idx.msk $0xffff, v8  }
0x36: {  	v8 =	vld.idx.msk [tilespmem:v51+s9+$0x0], $0xffff  }
0x37: {  	v52 =	vor.u32 $0x3, v49;
	_ =	sdelay $0x3  }
0x38: {  	[tilespmem:v4+s17+$0xFFFFFF40] =	vst.idx.msk $0xffff, v8  }
0x39: {  	v8 =	vld.idx.msk [tilespmem:v52+s9+$0x0], $0xffff  }
0x3a: {  	v53 =	vor.u32 $0x4, v49;
	_ =	sdelay $0x3  }
0x3b: {  	[tilespmem:v5+s17+$0xFFFFFF40] =	vst.idx.msk $0xffff, v8  }
0x3c: {  	v8 =	vld.idx.msk [tilespmem:v53+s9+$0x0], $0xffff  }
0x3d: {  	v9 =	vor.u32 $0x5, v49;
	_ =	sdelay $0x3  }
0x3e: {  	[tilespmem:v6+s17+$0xFFFFFF40] =	vst.idx.msk $0xffff, v8  }
0x3f: {  	v8 =	vld.idx.msk [tilespmem:v9+s9+$0x0], $0xffff;
	_ =	sdelay $0x4  }
0x40: {  	[tilespmem:v7+s17+$0xFFFFFF40] =	vst.idx.msk $0xffff, v8  }
0x41: {  	v8 =	vld [tilespmem:s18+$0x0];
	_ =	sdelay $0x4  }
0x42: {  	v54 =	vshll.u32 v8, $0x4;
	_ =	sdelay $0x3  }
0x43: {  	[tilespmem:v8+s11+$0x0] =	vst.idx.add.f32.msk $0xffff, v2  }
0x44: {  	v8 =	vld.idx.msk [tilespmem:v54+s9+$0x0], $0xffff  }
0x45: {  	v55 =	vor.u32 $0x1, v54;
	_ =	sdelay $0x3  }
0x46: {  	[tilespmem:v0+s17+$0xFFFFFFA0] =	vst.idx.msk $0xffff, v8  }
0x47: {  	v8 =	vld.idx.msk [tilespmem:v55+s9+$0x0], $0xffff  }
0x48: {  	v56 =	vor.u32 $0x2, v54;
	_ =	sdelay $0x3  }
0x49: {  	[tilespmem:v3+s17+$0xFFFFFFA0] =	vst.idx.msk $0xffff, v8  }
0x4a: {  	v8 =	vld.idx.msk [tilespmem:v56+s9+$0x0], $0xffff  }
0x4b: {  	v57 =	vor.u32 $0x3, v54;
	_ =	sdelay $0x3  }
0x4c: {  	[tilespmem:v4+s17+$0xFFFFFFA0] =	vst.idx.msk $0xffff, v8  }
0x4d: {  	v8 =	vld.idx.msk [tilespmem:v57+s9+$0x0], $0xffff  }
0x4e: {  	v58 =	vor.u32 $0x4, v54;
	_ =	sdelay $0x3  }
0x4f: {  	[tilespmem:v5+s17+$0xFFFFFFA0] =	vst.idx.msk $0xffff, v8  }
0x50: {  	v8 =	vld.idx.msk [tilespmem:v58+s9+$0x0], $0xffff  }
0x51: {  	v9 =	vor.u32 $0x5, v54;
	_ =	sdelay $0x3  }
0x52: {  	[tilespmem:v6+s17+$0xFFFFFFA0] =	vst.idx.msk $0xffff, v8  }
0x53: {  	v8 =	vld.idx.msk [tilespmem:v9+s9+$0x0], $0xffff;
	_ =	sdelay $0x4  }
0x54: {  	[tilespmem:v7+s17+$0xFFFFFFA0] =	vst.idx.msk $0xffff, v8  }
0x55: {  	v8 =	vld [tilespmem:s18+$0x10];
	_ =	sdelay $0x4  }
0x56: {  	v59 =	vshll.u32 v8, $0x4;
	_ =	sdelay $0x3  }
0x57: {  	[tilespmem:v8+s11+$0x0] =	vst.idx.add.f32.msk $0xffff, v2  }
0x58: {  	v8 =	vld.idx.msk [tilespmem:v59+s9+$0x0], $0xffff  }
0x59: {  	v60 =	vor.u32 $0x1, v59;
	_ =	sdelay $0x3  }
0x5a: {  	[tilespmem:v0+s17+$0x0] =	vst.idx.msk $0xffff, v8  }
0x5b: {  	v8 =	vld.idx.msk [tilespmem:v60+s9+$0x0], $0xffff  }
0x5c: {  	v61 =	vor.u32 $0x2, v59;
	_ =	sdelay $0x3  }
0x5d: {  	[tilespmem:v3+s17+$0x0] =	vst.idx.msk $0xffff, v8  }
0x5e: {  	v8 =	vld.idx.msk [tilespmem:v61+s9+$0x0], $0xffff  }
0x5f: {  	v62 =	vor.u32 $0x3, v59;
	_ =	sdelay $0x3  }
0x60: {  	[tilespmem:v4+s17+$0x0] =	vst.idx.msk $0xffff, v8  }
0x61: {  	v8 =	vld.idx.msk [tilespmem:v62+s9+$0x0], $0xffff  }
0x62: {  	v63 =	vor.u32 $0x4, v59;
	_ =	sdelay $0x3  }
0x63: {  	[tilespmem:v5+s17+$0x0] =	vst.idx.msk $0xffff, v8  }
0x64: {  	v8 =	vld.idx.msk [tilespmem:v63+s9+$0x0], $0xffff  }
0x65: {  	v9 =	vor.u32 $0x5, v59;
	_ =	sdelay $0x3  }
0x66: {  	s16 =	sadd.s32 $0x4, s16;
	[tilespmem:v6+s17+$0x0] =	vst.idx.msk $0xffff, v8  }
0x67: {  	p0 =	slt.u32 s16, $0x7C;
	v8 =	vld.idx.msk [tilespmem:v9+s9+$0x0], $0xffff  }
.Ltmp0:
0x68: {  	_ = 	snop;
	(pc) =	sbr.rel @p0 .LBB2_3-.Ltmp0, $2  }
0x69: {  	_ =	sdelay $0x2  }
0x6a: {  	s18 =	sadd.s32 $0x40, s18;
	[tilespmem:v7+s17+$0x0] =	vst.idx.msk $0xffff, v8;
	s17 =	sadd.s32 $0x180, s17  }
0x6b: {  	s15 =	smul.u32 $0x6, s15  }
0x6c: {  	s14 =	sadd.s32 $0x1, s14  }
0x6d: {  	p0 =	sne.s32 s14, $0x32;
	s15 =	sshrl.u32 s15, $0x3  }
.Ltmp1:
0x6e: {  	s15 =	sadd.s32 s4, s15;
	(pc) =	sbr.rel @p0 .LBB2_2-.Ltmp1, $4  }
0x6f: {  	[hbm4b:s15+s5] =	stream.linear.scatter [tilespmem:s12], [sflag:$0x1], $0x3000, $0x38;
	[tilespmem:$0x3860] =	vst v63  }
0x70: {  	_ =	swait.ge [sflag:s10], $0x3000  }
0x71: {  	[sflag:s10] =	ssyncset.done $0x0  }
0x72: {  	[sflag:s10] =	ssyncadd.s32 $0xFFFFD000  }
0x73: {  	s13 =	sadd.s32 $0x1, s13  }
0x74: {  	p0 =	sne.s32 s13, s8  }
.Ltmp2:
0x75: {  	_ = 	snop;
	(pc) =	sbr.rel @p0 .LBB2_1-.Ltmp2, $4  }
0x76: {  	[hbm4b:s7+s5] =	stream.linear.scatter [tilespmem:s11], [sflag:$0x1], $0x10, $0x38;
	[tilespmem:$0x3860] =	vst v63  }
0x77: {  	_ =	swait.ge [sflag:s10], $0x10  }
0x78: {  	[sflag:s10] =	ssyncset.done $0x0  }
0x79: {  	[sflag:s10] =	ssyncadd.s32 $0xFFFFFFF0  }
0x7a: {  	_ =	sfence.sel $0x180000  }
0x7b: {  	[bflag:$0x0] =	sbarrier.arrive $0xFFFF  }
0x7c: {  	p0 =	sne.s32 s0, $0x0;
	_ =	strace $0x90000047  }
0x7d: {  	s0 =	sadd.s32 @!p0 $0x100000, s3;
	[bflag:$0x2] =	sbarrier.arrive $0xFFFF  }
0x7e: {  	[sflag:s0] =	ssyncadd.tile.s32 @!p0 $0x1;
	_ =	shalt  }
.Lfunc_end2:
_tile_overlayer_lowered:
.L_overlay_start_2:
0x7f: {  	(tag) =	ssettag $0x2  }
0x80: {  	s0 =	rddreg [dreg:$0x0];
	s2 =	stileid.u32  }
0x81: {  	s1 =	rddreg [dreg:$0x1];
	p0 =	sne.s32 s2, $0x0  }
0x82: {  	s3 =	rddreg [dreg:$0x2];
	[bflag:$0x3] =	sbarrier.arrive $0xFFFF;
	s2 =	simm.s32 @!p0 $0x1C01  }
0x83: {  	[timem:s3], [sflag:s2] =	dma.local @!p0 [hbm:s0], s1  }
0x84: {  	s0 =	simm.s32 @!p0 $0x1  }
0x85: {  	_ =	swait.ge @!p0 [sflag:s0], s1  }
0x86: {  	s1 =	ssub.s32 @!p0 $0x0, s1;
	[sflag:s0] =	ssyncset.done @!p0 $0x0  }
0x87: {  	[sflag:s0] =	ssyncadd.s32 @!p0 s1  }
0x88: {  	[bflag:$0x3] =	sbarrier.arrive $0xFFFF  }
0x89: {  	_ =	shalt  }

// kernel: sparse-core-data-format-call.cloned.1.call-start
scs
called_computation_lowered:
.L_overlay_start_0:
0x0: {  	s2 =	sld [smem:$0x3FD9]  }
0x1: {  	s3 =	sld [smem:$0x3FFE];
	_ =	sdelay $0x1  }
0x2: {  	s1 =	srdreg.scid  }
0x3: {  	s0 =	sand.u32 $0x1, s1  }
0x4: {  	s15 =	sshll.u32 s0, $0xA;
	s2 =	sadd.s32 s3, s2  }
0x5: {  	s2 =	sadd.s32 s2, s15  }
0x6: {  	[smem:$0x3FC4] =	sst s2  }
0x7: {  	_ = 	snop  }
0x8: {  	s2 =	sld [smem:$0x3FD0];
	_ =	sdelay $0x2  }
0x9: {  	s16 =	simm.s32 $0xA;
	s4 =	simm.s32 $0x10  }
0xa: {  	[smem:s4], [sflag:s16] =	dma.local [hbm:s2], $0x1  }
0xb: {  	_ =	swait.eq [sflag:s16], $0x1  }
0xc: {  	[sflag:s16] =	ssyncset.done $0x0  }
0xd: {  	[sflag:s16] =	ssyncadd.s32 $0xFFFFFFFF  }
0xe: {  	s17 =	sld [smem:$0x11];
	(tm) =	ssettm $0x1  }
0xf: {  	s18 =	sld [smem:$0x3FFB];
	_ =	sdelay $0x3  }
0x10: {  	_ =	strace s18  }
0x11: {  	s3 =	sld [smem:$0x3FFC];
	_ =	sdelay $0x3  }
0x12: {  	_ =	strace s3  }
0x13: {  	s3 =	sld [smem:$0x3FFD];
	_ =	sdelay $0x3  }
0x14: {  	_ =	strace s3  }
0x15: {  	_ =	strace $0x8FFFFFFF  }
0x16: {  	s19 =	sld [smem:$0x3FDB];
	_ =	sdelay $0x1  }
0x17: {  	s20 =	simm.s32 $_scs_section_size  }
0x18: {  	s5 =	simm.s32 $_size__tile_overlayer_lowered;
	s6 =	simm.s32 $_tile_overlayer_lowered  }
0x19: {  	s23 =	simm.s32 $0x1BFF;
	s22 =	sshll.u32 s6, $0x1;
	s3 =	sadd.s32 s20, s19  }
0x1a: {  	s7 =	simm.s32 $0x0;
	s21 =	sshll.u32 s5, $0x1;
	s5 =	sadd.s32 s22, s3  }
0x1b: {  	[timem:s7], [sflag:s23] =	dma.local [hbm:s5], s21  }
0x1c: {  	_ =	swait.ge [sflag:s23], s21  }
0x1d: {  	s4 =	ssub.s32 $0x0, s21;
	[sflag:s23] =	ssyncset.done $0x0  }
0x1e: {  	[sflag:s23] =	ssyncadd.s32 s4;
	_ =	sdelay $0x1  }
0x1f: {  	s24 =	simm.s32 $0x1B8B  }
0x20: {  	_ =	swait.ge [sflag:s24], $0x1  }
0x21: {  	[sflag:s24] =	ssyncset.done $0x0  }
0x22: {  	s26 =	simm.s32 $0x1B8E;
	s25 =	sld [smem:$0x3FFE];
	[sflag:s24] =	ssyncadd.s32 $0xFFFFFFFF  }
0x23: {  	s27 =	simm.s32 $execute0_lowered;
	[smem:$0x3FD2] =	sst s26  }
0x24: {  	s5 =	sshll.u32 s27, $0x1;
	_ =	strace $0x80000049;
	[dreg:$0x1] =	wrdreg $0xFFFFFFFF  }
0x25: {  	s28 =	simm.s32 $_size_execute0_lowered;
	s3 =	sadd.s32 s3, s5;
	[dreg:$0x0] =	wrdreg $0x0  }
0x26: {  	s5 =	sshll.u32 s28, $0x1;
	[dreg:$0x2] =	wrdreg s3  }
0x27: {  	[dreg:$0x3] =	wrdreg s5  }
0x28: {  	[dreg:$0x4] =	wrdreg $0xC0  }
0x29: {  	_ =	task [dreg:s7], $0x5FFFF  }
0x2a: {  	[dreg:$0x1] =	wrdreg $0xFFFFFFFF  }
0x2b: {  	[dreg:$0x0] =	wrdreg $0x60  }
0x2c: {  	[dreg:$0x2] =	wrdreg s25  }
0x2d: {  	[dreg:$0x3] =	wrdreg s17  }
0x2e: {  	[dreg:$0x4] =	wrdreg $0x9  }
0x2f: {  	_ =	task.clear_ibuf [dreg:s7], $0x5FFFF;
	_ =	strace $0x90000049  }
0x30: {  	s29 =	simm.s32 $0x9;
	_ =	strace $0x8000004B  }
0x31: {  	_ =	swait.ge [sflag:s29], $0x1  }
0x32: {  	[sflag:s29] =	ssyncadd.s32 $0xFFFFFFFF  }
0x33: {  	_ =	strace $0x9000004B  }
0x34: {  	_ =	sfence  }
0x35: {  	s30 =	sld [smem:$0x0];
	_ =	sdelay $0x2  }
0x36: {  	s31 =	sshll.u32 s1, $0xD;
	s1 =	sshrl.u32 s1, $0x2  }
0x37: {  	s3 =	sand.u32 $0x4000, s31;
	s1 =	sadd.s32 s1, s30  }
0x38: {  	s0 =	sor.u32 s3, s0;
	s1 =	sshll.u32 s1, $0x11  }
0x39: {  	s0 =	sor.u32 s1, s0  }
0x3a: {  	s0 =	sadd.s32 $0x8F2B, s0  }
0x3b: {  	[sflag:s0] =	ssyncadd.remote.s32 $0x1  }
0x3c: {  	_ =	sfence.sel $0xFFFF  }
0x3d: {  	[dreg:$0x0] =	wrdreg $0xFFFFFFFF;
	(pc) =	sbr.abs _section_cstart, $3  }
0x3e: {  	[dreg:$0x1] =	wrdreg $0xFFFFFFFF  }
0x3f: {  	_ =	task.clear_ibuf [dreg:s7], $0x2FFFF;
	_ =	strace $0x9FFFFFFF  }
0x40: {  	(tm) =	ssettm $0x7FFFFFFF  }
0x41: {  	_ =	shalt  }
tec
execute0_lowered:
.L_overlay_start_1:
0x0: {  	(tag) =	ssettag $0x1  }
0x1: {  	s0 =	srdreg.scid  }
0x2: {  	s1 =	sshll.u32 s0, $0x4  }
0x3: {  	s6 =	rddreg [dreg:$0x0];
	s0 =	stileid.u32;
	s1 =	sand.u32 $0x10, s1  }
0x4: {  	s3 =	rddreg [dreg:$0x1];
	s1 =	sor.u32 s0, s1  }
0x5: {  	s7 =	simm.s32 $0x1;
	s8 =	simm.s32 $0x2;
	s2 =	sshll.u32 s1, $0x7  }
0x6: {  	s10 =	simm.s32 $0x0;
	s9 =	simm.s32 $0x0;
	s5 =	ssub.s32 $0x320000, s2  }
.Ltmp0:
0x7: {  	s6 =	sadd.s32 $0x1600, s6;
	s4 =	sand.u32 $0xF80, s5;
	(pc) =	sbr.rel .LBB1_1-.Ltmp0, $4  }
0x8: {  	s1 =	rddreg [dreg:$0x2];
	_ =	strace $0x8000004A;
	p0 =	sne.s32 s4, $0x0  }
0x9: {  	s5 =	sshrl.u32 s5, $0xC;
	s4 =	simm.s32 $0x1;
	s7 =	simm.s32 @!p0 $0x0  }
0xa: {  	[sflag:s4] =	ssyncpa.u1 $0x0;
	p0 =	por $0x0, $0x0;
	s5 =	sadd.s32 s7, s5  }
0xb: {  	[sflag:s8] =	ssyncpa.u1 $0x0;
	s8 =	smov.u32 s2;
	s7 =	sadd.s32 $0x1, s5  }
.LBB1_4:
0xc: {  	[tilespmem:s20+$0xFFFFFFFA ss:$0x81] =	vst.msk $0xff, v4  }
0xd: {  	v4 =	vld.msk [tilespmem:s21+$0xFFFFFFF0], $0xff;
	_ =	sdelay $0x3  }
0xe: {  	[tilespmem:s18+$0xFFFFFFFB ss:$0x81] =	vst.msk $0xff, v3  }
0xf: {  	v3 =	vld.msk [tilespmem:s19+$0xFFFFFFF8], $0xff;
	[tilespmem:s20+$0xFFFFFFFB ss:$0x81] =	vst.msk $0xff, v4  }
0x10: {  	v4 =	vld.msk [tilespmem:s21+$0xFFFFFFF8], $0xff;
	_ =	sdelay $0x3  }
0x11: {  	v5 =	vld.msk [tilespmem:s17+$0x0], $0xff;
	[tilespmem:s18+$0xFFFFFFFC ss:$0x81] =	vst.msk $0xff, v3  }
0x12: {  	v3 =	vld.msk [tilespmem:s19+$0x0], $0xff;
	[tilespmem:s20+$0xFFFFFFFC ss:$0x81] =	vst.msk $0xff, v4  }
0x13: {  	v4 =	vld.msk [tilespmem:s21+$0x0], $0xff;
	_ =	sdelay $0x2  }
0x14: {  	[tilespmem:s16+$0xFFFFFFFD ss:$0x81] =	vst.msk $0xff, v5  }
0x15: {  	v5 =	vld.msk [tilespmem:s17+$0x8], $0xff;
	[tilespmem:s18+$0xFFFFFFFD ss:$0x81] =	vst.msk $0xff, v3  }
0x16: {  	v3 =	vld.msk [tilespmem:s19+$0x8], $0xff;
	[tilespmem:s20+$0xFFFFFFFD ss:$0x81] =	vst.msk $0xff, v4  }
0x17: {  	v4 =	vld.msk [tilespmem:s21+$0x8], $0xff;
	_ =	sdelay $0x1  }
0x18: {  	[tilespmem:s13+$0xFFFFFFFE ss:$0x81] =	vst.msk $0xff, v2  }
0x19: {  	v2 =	vld.msk [tilespmem:s15+$0x10], $0xff;
	[tilespmem:s16+$0xFFFFFFFE ss:$0x81] =	vst.msk $0xff, v5  }
0x1a: {  	v5 =	vld.msk [tilespmem:s17+$0x10], $0xff;
	[tilespmem:s18+$0xFFFFFFFE ss:$0x81] =	vst.msk $0xff, v3  }
0x1b: {  	v3 =	vld.msk [tilespmem:s19+$0x10], $0xff;
	[tilespmem:s20+$0xFFFFFFFE ss:$0x81] =	vst.msk $0xff, v4  }
0x1c: {  	v4 =	vld.msk [tilespmem:s21+$0x10], $0xff  }
0x1d: {  	s23 =	sshll.u32 s10, $0x3;
	[tilespmem:s12+$0xFFFFFFFF ss:$0x81] =	vst.msk $0xff, v1  }
0x1e: {  	s26 =	sand.u32 $0x7F, s10;
	s24 =	sand.u32 $0xFFFFFC00, s23;
	v1 =	vld.msk [tilespmem:s14+$0x18], $0xff;
	[tilespmem:s13+$0xFFFFFFFF ss:$0x81] =	vst.msk $0xff, v2  }
0x1f: {  	s28 =	smulhi.u32 $0x51EB851F, s23;
	s10 =	sor.u32 s26, s24;
	v2 =	vld.msk [tilespmem:s15+$0x18], $0xff;
	[tilespmem:s16+$0xFFFFFFFF ss:$0x81] =	vst.msk $0xff, v5  }
0x20: {  	s27 =	smulhi.u32 $0x51EB851F, s10;
	v61 =	vld.msk [tilespmem:s17+$0x18], $0xff;
	[tilespmem:s18+$0xFFFFFFFF ss:$0x81] =	vst.msk $0xff, v3  }
0x21: {  	v62 =	vld.msk [tilespmem:s19+$0x18], $0xff;
	[tilespmem:s20+$0xFFFFFFFF ss:$0x81] =	vst.msk $0xff, v4  }
0x22: {  	[tilespmem:s11+$0x0 ss:$0x81] =	vst.msk $0xff, v0;
	s30 =	sshrl.u32 s28, $0x14;
	s29 =	sshrl.u32 s27, $0x14;
	v63 =	vld.msk [tilespmem:s21+$0x18], $0xff  }
0x23: {  	s31 =	sand.u32 $0x7, s30;
	[tilespmem:s12+$0x0 ss:$0x81] =	vst.msk $0xff, v1;
	s11 =	smul.u32 $0x320000, s29  }
0x24: {  	s12 =	smul.u32 $0x64000, s31;
	[tilespmem:s13+$0x0 ss:$0x81] =	vst.msk $0xff, v2  }
0x25: {  	s10 =	ssub.s32 s10, s11;
	[tilespmem:s16+$0x0 ss:$0x81] =	vst.msk $0xff, v61  }
0x26: {  	s12 =	sadd.s32 s3, s12;
	s11 =	sshrl.u32 s10, $0x3;
	[tilespmem:s18+$0x0 ss:$0x81] =	vst.msk $0xff, v62  }
0x27: {  	s10 =	sand.u32 $0x7, s10;
	s11 =	sadd.s32 s11, s12;
	[tilespmem:s20+$0x0 ss:$0x81] =	vst.msk $0xff, v63  }
0x28: {  	[hbm4b:s11+s10] =	stream.linear.scatter [tilespmem:s22], [sflag:$0x2], $0x400, $0x20;
	[tilespmem:$0x1010] =	vst v63  }
.LBB1_5:
0x29: {  	s12 =	sadd.s32 $0x1000, s8  }
0x2a: {  	p2 =	sgt.s32 s12, $0x31FFFF  }
0x2b: {  	s12 =	smov.u32 @p2 s2;
	p2 =	sne.s32 s9, s7  }
.Ltmp1:
0x2c: {  	p1 =	slt.u32 s9, $0x2;
	(pc) =	sbr.rel @!p2 .LBB1_6-.Ltmp1, $4  }
0x2d: {  	s11 =	simm.s32 @!p1 $0x2  }
0x2e: {  	s13 =	sadd.s32 $0x1, s9;
	_ =	swait.ge @!p1 [sflag:s11], $0x400  }
0x2f: {  	s10 =	smov.u32 s8;
	p0 =	por !p0, !p0;
	[sflag:s11] =	ssyncset.done @!p1 $0x0  }
0x30: {  	s9 =	smov.u32 s13;
	s8 =	smov.u32 s12;
	[sflag:s11] =	ssyncadd.s32 @!p1 $0xFFFFFC00  }
.LBB1_1:
0x31: {  	p1 =	sge.u32 s9, s5  }
0x32: {  	s11 =	sand.u32 @!p1 $0x1FFFFFF, s8  }
0x33: {  	s12 =	smulhi.u32 @!p1 $0x147AE15, s11;
	_ =	sdelay $0x1  }
0x34: {  	s12 =	sshrl.u32 @!p1 s12, $0xE  }
0x35: {  	s12 =	smul.u32 @!p1 $0x320000, s12;
	_ =	sdelay $0x1  }
0x36: {  	s31 =	sadd.s32 $0xFFFFFFFF, s9;
	s13 =	sxor.u32 @!p1 $0xFFFFFFFF, s9;
	s11 =	ssub.s32 @!p1 s11, s12  }
0x37: {  	s14 =	simm.s32 @!p1 $0x80;
	s13 =	sshll.u32 @!p1 s13, $0xA;
	s11 =	sshll.u32 @!p1 s11, $0x4  }
0x38: {  	s12 =	sand.u32 @!p1 $0x400, s13;
	s13 =	simm.s32 @!p1 $0x8;
	s11 =	sadd.s32 @!p1 s6, s11  }
0x39: {  	[tilespmem:s12], [sflag:$0x1] =	stream.strided.gather @!p1 [hbm4b:s11+s13], $0x400, s14, s13, $0x38;
	[tilespmem:$0x1010] =	vst v63  }
0x3a: {  	p1 =	sge.u32 s31, s5  }
.Ltmp2:
0x3b: {  	_ = 	snop;
	(pc) =	sbr.rel @p1 .LBB1_5-.Ltmp2, $1  }
0x3c: {  	_ =	sdelay $0x3  }
0x3d: {  	s11 =	simm.s32 $0x1  }
0x3e: {  	_ =	swait.ge [sflag:s4], $0x400;
	s11 =	simm.s32 @!p0 $0x0  }
0x3f: {  	[sflag:s4] =	ssyncset.done $0x0;
	s12 =	sshll.u32 s11, $0xA  }
0x40: {  	[sflag:s4] =	ssyncadd.s32 $0xFFFFFC00;
	s20 =	sor.u32 $0x20, s12  }
0x41: {  	v0 =	vld.msk [tilespmem:s20+$0xFFFFFFE0], $0xff  }
0x42: {  	s11 =	smul.u32 $0x1020, s11;
	_ =	sdelay $0x1  }
0x43: {  	s11 =	sshrl.u32 s11, $0x2  }
0x44: {  	s11 =	sor.u32 $0x807, s11  }
0x45: {  	[tilespmem:s11+$0xFFFFFFF9 ss:$0x81] =	vst.msk $0xff, v0  }
0x46: {  	v0 =	vld.msk [tilespmem:s20+$0xFFFFFFE8], $0xff  }
0x47: {  	s14 =	sadd.s32 $0x40, s20  }
0x48: {  	v1 =	vld.msk [tilespmem:s14+$0xFFFFFFE0], $0xff;
	_ =	sdelay $0x2  }
0x49: {  	[tilespmem:s11+$0xFFFFFFFA ss:$0x81] =	vst.msk $0xff, v0  }
0x4a: {  	s12 =	sadd.s32 $0x8, s11;
	v0 =	vld.msk [tilespmem:s20+$0xFFFFFFF0], $0xff  }
0x4b: {  	[tilespmem:s12+$0xFFFFFFF9 ss:$0x81] =	vst.msk $0xff, v1  }
0x4c: {  	v1 =	vld.msk [tilespmem:s14+$0xFFFFFFE8], $0xff  }
0x4d: {  	s15 =	sadd.s32 $0x40, s14  }
0x4e: {  	v2 =	vld.msk [tilespmem:s15+$0xFFFFFFE0], $0xff  }
0x4f: {  	[tilespmem:s11+$0xFFFFFFFB ss:$0x81] =	vst.msk $0xff, v0  }
0x50: {  	v0 =	vld.msk [tilespmem:s20+$0xFFFFFFF8], $0xff  }
0x51: {  	[tilespmem:s12+$0xFFFFFFFA ss:$0x81] =	vst.msk $0xff, v1  }
0x52: {  	s13 =	sadd.s32 $0x8, s12;
	v1 =	vld.msk [tilespmem:s14+$0xFFFFFFF0], $0xff  }
0x53: {  	[tilespmem:s13+$0xFFFFFFF9 ss:$0x81] =	vst.msk $0xff, v2  }
0x54: {  	s17 =	sadd.s32 $0x40, s15;
	v2 =	vld.msk [tilespmem:s15+$0xFFFFFFE8], $0xff  }
0x55: {  	[tilespmem:s11+$0xFFFFFFFC ss:$0x81] =	vst.msk $0xff, v0;
	v0 =	vld.msk [tilespmem:s17+$0xFFFFFFE0], $0xff  }
0x56: {  	v3 =	vld.msk [tilespmem:s20+$0x0], $0xff  }
0x57: {  	[tilespmem:s12+$0xFFFFFFFB ss:$0x81] =	vst.msk $0xff, v1  }
0x58: {  	v1 =	vld.msk [tilespmem:s14+$0xFFFFFFF8], $0xff  }
0x59: {  	s16 =	sadd.s32 $0x8, s13;
	[tilespmem:s13+$0xFFFFFFFA ss:$0x81] =	vst.msk $0xff, v2  }
0x5a: {  	v2 =	vld.msk [tilespmem:s15+$0xFFFFFFF0], $0xff;
	[tilespmem:s16+$0xFFFFFFF9 ss:$0x81] =	vst.msk $0xff, v0  }
0x5b: {  	v0 =	vld.msk [tilespmem:s17+$0xFFFFFFE8], $0xff;
	[tilespmem:s11+$0xFFFFFFFD ss:$0x81] =	vst.msk $0xff, v3  }
0x5c: {  	s19 =	sadd.s32 $0x40, s17;
	v3 =	vld.msk [tilespmem:s20+$0x8], $0xff  }
0x5d: {  	[tilespmem:s12+$0xFFFFFFFC ss:$0x81] =	vst.msk $0xff, v1;
	v1 =	vld.msk [tilespmem:s19+$0xFFFFFFE0], $0xff  }
0x5e: {  	v4 =	vld.msk [tilespmem:s14+$0x0], $0xff  }
0x5f: {  	[tilespmem:s13+$0xFFFFFFFB ss:$0x81] =	vst.msk $0xff, v2  }
0x60: {  	v2 =	vld.msk [tilespmem:s15+$0xFFFFFFF8], $0xff;
	[tilespmem:s16+$0xFFFFFFFA ss:$0x81] =	vst.msk $0xff, v0  }
0x61: {  	s18 =	sadd.s32 $0x8, s16;
	v0 =	vld.msk [tilespmem:s17+$0xFFFFFFF0], $0xff;
	[tilespmem:s11+$0xFFFFFFFE ss:$0x81] =	vst.msk $0xff, v3  }
0x62: {  	[tilespmem:s18+$0xFFFFFFF9 ss:$0x81] =	vst.msk $0xff, v1;
	v1 =	vld.msk [tilespmem:s20+$0x10], $0xff  }
0x63: {  	[tilespmem:s12+$0xFFFFFFFD ss:$0x81] =	vst.msk $0xff, v4;
	v3 =	vld.msk [tilespmem:s19+$0xFFFFFFE8], $0xff  }
0x64: {  	s21 =	sadd.s32 $0x40, s19;
	v4 =	vld.msk [tilespmem:s14+$0x8], $0xff  }
0x65: {  	[tilespmem:s13+$0xFFFFFFFC ss:$0x81] =	vst.msk $0xff, v2;
	v2 =	vld.msk [tilespmem:s21+$0xFFFFFFE0], $0xff  }
0x66: {  	v5 =	vld.msk [tilespmem:s15+$0x0], $0xff;
	[tilespmem:s16+$0xFFFFFFFB ss:$0x81] =	vst.msk $0xff, v0  }
0x67: {  	v6 =	vld.msk [tilespmem:s17+$0xFFFFFFF8], $0xff;
	[tilespmem:s11+$0xFFFFFFFF ss:$0x81] =	vst.msk $0xff, v1  }
0x68: {  	s22 =	sand.u32 $0x1, s9;
	[tilespmem:s18+$0xFFFFFFFA ss:$0x81] =	vst.msk $0xff, v3;
	v0 =	vld.msk [tilespmem:s20+$0x18], $0xff  }
0x69: {  	s22 =	smul.u32 $0x1020, s22;
	[tilespmem:s12+$0xFFFFFFFE ss:$0x81] =	vst.msk $0xff, v4;
	v3 =	vld.msk [tilespmem:s19+$0xFFFFFFF0], $0xff;
	s20 =	sadd.s32 $0x8, s18  }
0x6a: {  	v1 =	vld.msk [tilespmem:s14+$0x10], $0xff;
	[tilespmem:s20+$0xFFFFFFF9 ss:$0x81] =	vst.msk $0xff, v2  }
0x6b: {  	s22 =	sshrl.u32 s22, $0x2;
	[tilespmem:s13+$0xFFFFFFFD ss:$0x81] =	vst.msk $0xff, v5;
	v4 =	vld.msk [tilespmem:s21+$0xFFFFFFE8], $0xff  }
0x6c: {  	s23 =	simm.s32 $0x28;
	s22 =	sor.u32 $0x800, s22;
	s24 =	sadd.s32 $0x40, s21;
	v2 =	vld.msk [tilespmem:s15+$0x8], $0xff;
	[tilespmem:s16+$0xFFFFFFFC ss:$0x81] =	vst.msk $0xff, v6  }
.LBB1_3:
0x6d: {  	v5 =	vld.msk [tilespmem:s24+$0xFFFFFFE0], $0xff;
	[tilespmem:s11+$0x0 ss:$0x81] =	vst.msk $0xff, v0;
	s11 =	smov.u32 s12;
	s12 =	smov.u32 s13;
	s13 =	smov.u32 s16  }
0x6e: {  	s23 =	sadd.s32 $0x8, s23;
	s16 =	smov.u32 s18;
	[tilespmem:s18+$0xFFFFFFFB ss:$0x81] =	vst.msk $0xff, v3;
	v6 =	vld.msk [tilespmem:s17+$0x0], $0xff;
	s18 =	smov.u32 s20  }
0x6f: {  	p1 =	slt.u32 s23, $0x78;
	v7 =	vld.msk [tilespmem:s19+$0xFFFFFFF8], $0xff;
	[tilespmem:s11+$0xFFFFFFFF ss:$0x81] =	vst.msk $0xff, v1  }
.Ltmp3:
0x70: {  	[tilespmem:s20+$0xFFFFFFFA ss:$0x81] =	vst.msk $0xff, v4;
	v0 =	vld.msk [tilespmem:s14+$0x18], $0xff;
	s14 =	smov.u32 s15;
	s15 =	smov.u32 s17;
	(pc) =	sbr.rel @p1 .LBB1_3-.Ltmp3, $4  }
0x71: {  	s20 =	sadd.s32 $0x8, s20;
	s17 =	smov.u32 s19;
	s19 =	smov.u32 s21;
	v3 =	vld.msk [tilespmem:s21+$0xFFFFFFF0], $0xff;
	[tilespmem:s12+$0xFFFFFFFE ss:$0x81] =	vst.msk $0xff, v2  }
0x72: {  	s21 =	smov.u32 s24;
	[tilespmem:s20+$0xFFFFFFF9 ss:$0x81] =	vst.msk $0xff, v5;
	v1 =	vld.msk [tilespmem:s14+$0x10], $0xff  }
0x73: {  	v4 =	vld.msk [tilespmem:s24+$0xFFFFFFE8], $0xff;
	[tilespmem:s13+$0xFFFFFFFD ss:$0x81] =	vst.msk $0xff, v6  }
0x74: {  	s24 =	sadd.s32 $0x40, s24;
	[tilespmem:s16+$0xFFFFFFFC ss:$0x81] =	vst.msk $0xff, v7;
	v2 =	vld.msk [tilespmem:s15+$0x8], $0xff  }
.Ltmp4:
0x75: {  	_ = 	snop;
	(pc) =	sbr.rel .LBB1_4-.Ltmp4, $1  }
0x76: {  	_ =	sdelay $0x3  }
.LBB1_6:
0x77: {  	_ =	sfence.sel $0x180000  }
0x78: {  	s2 =	simm.s32 $0x1;
	[bflag:$0x0] =	sbarrier.arrive $0xFFFF  }
0x79: {  	s31 =	simm.s32 $0x2;
	[sflag:s2] =	ssyncpa.u1 $0x1  }
0x7a: {  	[sflag:s31] =	ssyncpa.u1 $0x1  }
0x7b: {  	p0 =	sne.s32 s0, $0x0;
	_ =	strace $0x9000004A  }
0x7c: {  	s0 =	sadd.s32 @!p0 $0x100000, s1;
	[bflag:$0x2] =	sbarrier.arrive $0xFFFF  }
0x7d: {  	[sflag:s0] =	ssyncadd.tile.s32 @!p0 $0x1;
	_ =	shalt  }
.Lfunc_end1:
_tile_overlayer_lowered:
.L_overlay_start_2:
0x7e: {  	(tag) =	ssettag $0x2  }
0x7f: {  	s0 =	rddreg [dreg:$0x0];
	s2 =	stileid.u32  }
0x80: {  	s1 =	rddreg [dreg:$0x1];
	p0 =	sne.s32 s2, $0x0  }
0x81: {  	s3 =	rddreg [dreg:$0x2];
	[bflag:$0x3] =	sbarrier.arrive $0xFFFF;
	s2 =	simm.s32 @!p0 $0x1C01  }
0x82: {  	[timem:s3], [sflag:s2] =	dma.local @!p0 [hbm:s0], s1  }
0x83: {  	s0 =	simm.s32 @!p0 $0x1  }
0x84: {  	_ =	swait.ge @!p0 [sflag:s0], s1  }
0x85: {  	s1 =	ssub.s32 @!p0 $0x0, s1;
	[sflag:s0] =	ssyncset.done @!p0 $0x0  }
0x86: {  	[sflag:s0] =	ssyncadd.s32 @!p0 s1  }
0x87: {  	[bflag:$0x3] =	sbarrier.arrive $0xFFFF  }
0x88: {  	_ =	shalt  }

</sc_bundles>
